<compile_context>
chip_gen: v7x
topology: tpu7x:2x2x1
jax: 0.10.2.dev20260603
libtpu: 0.0.44.dev20260713+nightly
codegen_flags: <defaults>
</compile_context>

<pallas_src>
import functools

import jax
import jax.numpy as jnp
from jax import lax
from jax.experimental import pallas as pl
from jax.experimental.pallas import tpu as pltpu
from jax.experimental.pallas import tpu_sc as plsc

N = 16384
K = 1024
D = 64
COMMIT = 0.25

BLK = 1024
NBLK = N // BLK
KC = 128
NKC = K // KC

NC = 2
NS = 16
NW = NC * NS
RPW = N // NW
CH = 128
NCH = RPW // CH


def _dist_argmin_body(x_ref, w_ref, xsq_ref, wsq_ref, idx_ref, dsum_ref):
    i = pl.program_id(0)
    x = x_ref[...]
    xsq = xsq_ref[...]
    best_val = jnp.full((BLK, KC), jnp.inf, jnp.float32)
    best_chunk = jnp.zeros((BLK, KC), jnp.int32)
    for c in range(NKC):
        w_c = w_ref[pl.ds(c * KC, KC), :]
        mm = lax.dot_general(x, w_c, (((1,), (1,)), ((), ())),
                             preferred_element_type=jnp.float32)
        d = (xsq + wsq_ref[:, pl.ds(c * KC, KC)]) - 2.0 * mm
        m = d < best_val
        best_val = jnp.where(m, d, best_val)
        best_chunk = jnp.where(m, c, best_chunk)
    lanes = lax.broadcasted_iota(jnp.int32, (BLK, KC), 1)
    full_idx = best_chunk * KC + lanes
    dmin = jnp.min(best_val, axis=1, keepdims=True)
    idx = jnp.min(jnp.where(best_val == dmin, full_idx, K), axis=1)
    idx_ref[0, 0, :] = idx.astype(jnp.int32)
    part = jnp.sum(dmin)

    @pl.when(i == 0)
    def _():
        dsum_ref[0, 0] = 0.0

    dsum_ref[0, 0] += part


_dist_argmin = pl.pallas_call(
    _dist_argmin_body,
    grid=(NBLK,),
    in_specs=[
        pl.BlockSpec((BLK, D), lambda i: (i, 0)),
        pl.BlockSpec((K, D), lambda i: (0, 0)),
        pl.BlockSpec((BLK, 1), lambda i: (i, 0)),
        pl.BlockSpec((1, K), lambda i: (0, 0)),
    ],
    out_specs=[
        pl.BlockSpec((1, 1, BLK), lambda i: (i, 0, 0)),
        pl.BlockSpec(memory_space=pltpu.SMEM),
    ],
    out_shape=[
        jax.ShapeDtypeStruct((NBLK, 1, BLK), jnp.int32),
        jax.ShapeDtypeStruct((1, 1), jnp.float32),
    ],
    compiler_params=pltpu.CompilerParams(
        dimension_semantics=("arbitrary",)),
)


def _sc_body(w_hbm, idx_hbm, quant_hbm, counts_hbm,
             idx_v, rows_v, hist_v, cnt_v, sem):
    wid = lax.axis_index("s") * NC + lax.axis_index("c")
    base = wid * RPW
    pltpu.sync_copy(idx_hbm.at[wid], idx_v)
    copies = []
    for j in range(NCH):
        copies.append(pltpu.async_copy(
            w_hbm.at[idx_v.at[j]], rows_v.at[pl.ds(j * CH, CH)], sem))

    lane = lax.iota(jnp.int32, 16)
    ones = jnp.full((16,), 1.0, jnp.float32)
    zeros = jnp.zeros((16,), jnp.float32)

    def _zero(c, _):
        for r in range(16):
            hist_v[r, pl.ds(c * 16, 16)] = zeros
        return 0

    lax.fori_loop(0, K // 16, _zero, 0)
    for j in range(NCH):
        for c in range(CH // 16):
            iv = idx_v[j, pl.ds(c * 16, 16)]
            plsc.addupdate_scatter(hist_v, [lane, iv], ones)

    def _red(c, _):
        acc = hist_v[0, pl.ds(c * 16, 16)]
        for r in range(1, 16):
            acc = acc + hist_v[r, pl.ds(c * 16, 16)]
        cnt_v[pl.ds(c * 16, 16)] = acc
        return 0

    lax.fori_loop(0, K // 16, _red, 0)
    pltpu.sync_copy(cnt_v, counts_hbm.at[wid])
    for cp in copies:
        cp.wait()
    pltpu.sync_copy(rows_v, quant_hbm.at[pl.ds(base, RPW)])


@functools.cache
def _sc_gather_hist():
    return functools.partial(
        pl.kernel,
        mesh=plsc.VectorSubcoreMesh(core_axis_name="c", subcore_axis_name="s"),
        out_type=[
            jax.ShapeDtypeStruct((N, D), jnp.float32),
            jax.ShapeDtypeStruct((NW, K), jnp.float32),
        ],
        scratch_types=[
            pltpu.VMEM((NCH, CH), jnp.int32),
            pltpu.VMEM((RPW, D), jnp.float32),
            pltpu.VMEM((16, K), jnp.float32),
            pltpu.VMEM((K,), jnp.float32),
            pltpu.SemaphoreType.DMA,
        ],
        compiler_params=pltpu.CompilerParams(
            use_tc_tiling_on_sc=False, needs_layout_passes=False),
    )(_sc_body)


def _epilogue_body(dsum_ref, counts_ref, loss_ref, perp_ref):
    c = counts_ref[...]
    avg = jnp.sum(c, axis=0, keepdims=True) * (1.0 / N)
    ent = -jnp.sum(avg * jnp.log(avg + 1e-10))
    perp_ref[0, 0] = jnp.exp(ent)
    loss_ref[0, 0] = dsum_ref[0, 0] * ((1.0 + COMMIT) / (N * D))


_epilogue = pl.pallas_call(
    _epilogue_body,
    in_specs=[
        pl.BlockSpec(memory_space=pltpu.SMEM),
        pl.BlockSpec((NW, K), lambda: (0, 0)),
    ],
    out_specs=[
        pl.BlockSpec(memory_space=pltpu.SMEM),
        pl.BlockSpec(memory_space=pltpu.SMEM),
    ],
    out_shape=[
        jax.ShapeDtypeStruct((1, 1), jnp.float32),
        jax.ShapeDtypeStruct((1, 1), jnp.float32),
    ],
)


def kernel(inputs, W):
    xsq = jnp.sum(inputs ** 2, axis=1, keepdims=True)
    wsq = jnp.sum(W ** 2, axis=1)[None, :]
    idx3, dsum = _dist_argmin(inputs, W, xsq, wsq)
    quant, counts = _sc_gather_hist()(W, idx3.reshape(NW, NCH, CH))
    loss, perp = _epilogue(dsum, counts)
    enc_idx = idx3.reshape(N, 1)
    return quant, loss.reshape(()), enc_idx, perp.reshape(())

# --- scband reference (transcript-rebuilt; emitter-appended) ---
"""Pipeline reference for scband-vector-quantizer-85066122265065 (READ-ONLY COPY).

The authoritative reference and input builder live on the scoring server;
editing this copy changes nothing except your own understanding.
"""

import jax, jax.numpy as jnp
import numpy as np

NUM_EMBEDDINGS = 1024
EMBEDDING_DIM = 64
COMMITMENT_COST = 0.25


def setup_inputs(seed: int = 0) -> dict:
    key = jax.random.key(seed)
    k_in, k_w = jax.random.split(key)
    inputs = jax.random.normal(k_in, (16384, EMBEDDING_DIM), dtype=jnp.float32)
    # nn.Embedding weight initialized uniform(-1/K, 1/K)
    W = jax.random.uniform(k_w, (NUM_EMBEDDINGS, EMBEDDING_DIM), dtype=jnp.float32,
                           minval=-1.0 / NUM_EMBEDDINGS, maxval=1.0 / NUM_EMBEDDINGS)
    return {"inputs": inputs, "W": W}


def reference(inputs, W):
    # distances[n, k] = ||x_n||^2 + ||w_k||^2 - 2 x_n . w_k
    distances = (jnp.sum(inputs ** 2, axis=1, keepdims=True)
                 + jnp.sum(W ** 2, axis=1)
                 - 2.0 * jnp.matmul(inputs, W.T))
    encoding_indices = jnp.argmin(distances, axis=1)[:, None]
    # one-hot encodings via scatter-overwrite (maps to SparseCore scatter)
    N = inputs.shape[0]
    K = W.shape[0]
    encodings = jnp.zeros((N, K), dtype=inputs.dtype).at[
        jnp.arange(N), encoding_indices[:, 0]].set(1.0)
    quantized = jnp.matmul(encodings, W).reshape(inputs.shape)
    enc_idx_out = encoding_indices.reshape(inputs.shape[0], -1)
    e_latent_loss = jnp.mean((jax.lax.stop_gradient(quantized) - inputs) ** 2)
    q_latent_loss = jnp.mean((quantized - jax.lax.stop_gradient(inputs)) ** 2)
    loss = q_latent_loss + COMMITMENT_COST * e_latent_loss
    quantized_st = inputs + jax.lax.stop_gradient(quantized - inputs)
    avg_probs = jnp.mean(encodings, axis=0)
    perplexity = jnp.exp(-jnp.sum(avg_probs * jnp.log(avg_probs + 1e-10)))
    return (quantized_st, loss, enc_idx_out, perplexity)

if __name__ == "__main__":
    import jax
    _d = setup_inputs()
    print(jax.jit(kernel)(*tuple(_d.values())))

</pallas_src>

<mosaic_0001>
#map = affine_map<(d0, d1) -> (0, 0)>
#map1 = affine_map<(d0, d1) -> (0, 0, 0)>
module attributes {stable_mosaic.version = 14 : i64} {
  func.func @_sc_body(%arg0: i32, %arg1: i32, %arg2: memref<1024x64xf32, #tpu.memory_space<hbm>>, %arg3: memref<32x4x128xi32, #tpu.memory_space<hbm>>, %arg4: memref<16384x64xf32, #tpu.memory_space<hbm>>, %arg5: memref<32x1024xf32, #tpu.memory_space<hbm>>, %arg6: memref<4x128xi32, #tpu.memory_space<vmem>>, %arg7: memref<512x64xf32, #tpu.memory_space<vmem>>, %arg8: memref<16x1024xf32, #tpu.memory_space<vmem>>, %arg9: memref<1024xf32, #tpu.memory_space<vmem>>, %arg10: memref<!tpu.dma_semaphore, #tpu.memory_space<semaphore_mem>>) attributes {dimension_semantics = [#tpu.dimension_semantics<core_parallel>, #tpu.dimension_semantics<subcore_parallel>], iteration_bounds = array<i64: 2, 16>, scalar_prefetch = 0 : i64, scratch_operands = 5 : i64, tpu.core_type = #tpu.core_type<sc_vector_subcore>, window_params = [{transform_indices = #map}, {transform_indices = #map1}, {transform_indices = #map}, {transform_indices = #map}]} {
    %mul3A = arith.constant 2 : i32
    %mul3A_0 = arith.muli %arg1, %mul3A : i32
    %add3A = arith.addi %mul3A_0, %arg0 : i32
    %mul3A_1 = arith.constant 512 : i32
    %mul3A_2 = arith.muli %add3A, %mul3A_1 : i32
    "tpu.region"() ({
      %run_scoped3A = tpu.sem_alloc : memref<!tpu.dma_semaphore, #tpu.memory_space<semaphore_mem>>
      %dma_start3A_224 = arith.constant 0 : i32
      %dma_start3A_225 = arith.constant 0 : i32
      %dma_start3A_226 = tpu.memref_slice %arg3[%add3A, %dma_start3A_224, %dma_start3A_225] : memref<32x4x128xi32, #tpu.memory_space<hbm>> -> memref<1x4x128xi32, #tpu.memory_space<hbm>>
      %dma_start3A_227 = tpu.memref_squeeze %dma_start3A_226 : memref<1x4x128xi32, #tpu.memory_space<hbm>> -> memref<4x128xi32, #tpu.memory_space<hbm>>
      %dma_start3A_228 = arith.constant 0 : i32
      %dma_start3A_229 = arith.constant 0 : i32
      %dma_start3A_230 = tpu.memref_slice %arg3[%add3A, %dma_start3A_228, %dma_start3A_229] : memref<32x4x128xi32, #tpu.memory_space<hbm>> -> memref<1x4x128xi32, #tpu.memory_space<hbm>>
      %dma_start3A_231 = tpu.memref_squeeze %dma_start3A_230 : memref<1x4x128xi32, #tpu.memory_space<hbm>> -> memref<4x128xi32, #tpu.memory_space<hbm>>
      tpu.enqueue_dma source(%dma_start3A_231 : memref<4x128xi32, #tpu.memory_space<hbm>>) target(%arg6 : memref<4x128xi32, #tpu.memory_space<vmem>>) target_semaphore(%run_scoped3A : memref<!tpu.dma_semaphore, #tpu.memory_space<semaphore_mem>>)
      %dma_wait3A_232 = arith.constant 0 : i32
      %dma_wait3A_233 = arith.constant 0 : i32
      %dma_wait3A_234 = tpu.memref_slice %arg3[%add3A, %dma_wait3A_232, %dma_wait3A_233] : memref<32x4x128xi32, #tpu.memory_space<hbm>> -> memref<1x4x128xi32, #tpu.memory_space<hbm>>
      %dma_wait3A_235 = tpu.memref_squeeze %dma_wait3A_234 : memref<1x4x128xi32, #tpu.memory_space<hbm>> -> memref<4x128xi32, #tpu.memory_space<hbm>>
      %dma_wait3A_236 = arith.constant 0 : i32
      %dma_wait3A_237 = arith.constant 0 : i32
      %dma_wait3A_238 = tpu.memref_slice %arg3[%add3A, %dma_wait3A_236, %dma_wait3A_237] : memref<32x4x128xi32, #tpu.memory_space<hbm>> -> memref<1x4x128xi32, #tpu.memory_space<hbm>>
      %dma_wait3A_239 = tpu.memref_squeeze %dma_wait3A_238 : memref<1x4x128xi32, #tpu.memory_space<hbm>> -> memref<4x128xi32, #tpu.memory_space<hbm>>
      tpu.wait_dma2 semaphore(%run_scoped3A : memref<!tpu.dma_semaphore, #tpu.memory_space<semaphore_mem>>) src(%dma_wait3A_239 : memref<4x128xi32, #tpu.memory_space<hbm>>) dst(%arg6 : memref<4x128xi32, #tpu.memory_space<vmem>>)
      tpu.yield
    }) : () -> ()
    %dma_start3A = arith.constant 0 : i32
    %dma_start3A_3 = arith.constant 0 : i32
    %dma_start3A_4 = arith.constant 0 : i32
    %dma_start3A_5 = tpu.memref_slice %arg7[%dma_start3A_3, %dma_start3A_4] : memref<512x64xf32, #tpu.memory_space<vmem>> -> memref<128x64xf32, #tpu.memory_space<vmem>>
    %dma_start3A_6 = arith.constant 0 : i32
    %dma_start3A_7 = tpu.memref_slice %arg6[%dma_start3A, %dma_start3A_6] : memref<4x128xi32, #tpu.memory_space<vmem>> -> memref<1x128xi32, #tpu.memory_space<vmem>>
    %dma_start3A_8 = tpu.memref_squeeze %dma_start3A_7 : memref<1x128xi32, #tpu.memory_space<vmem>> -> memref<128xi32, #tpu.memory_space<vmem>>
    %dma_start3A_9 = arith.constant 0 : i32
    %dma_start3A_10 = arith.constant 0 : i32
    %dma_start3A_11 = tpu.memref_slice %arg2[%dma_start3A_9, %dma_start3A_10] : memref<1024x64xf32, #tpu.memory_space<hbm>> -> memref<1024x64xf32, #tpu.memory_space<hbm>>
    tpu.enqueue_indirect_dma source(%dma_start3A_11 : memref<1024x64xf32, #tpu.memory_space<hbm>>) target(%dma_start3A_5 : memref<128x64xf32, #tpu.memory_space<vmem>>) offsets(%dma_start3A_8 : memref<128xi32, #tpu.memory_space<vmem>>) semaphore(%arg10 : memref<!tpu.dma_semaphore, #tpu.memory_space<semaphore_mem>>)
    %dma_start3A_12 = arith.constant 1 : i32
    %dma_start3A_13 = arith.constant 128 : i32
    %dma_start3A_14 = arith.constant 0 : i32
    %dma_start3A_15 = tpu.memref_slice %arg7[%dma_start3A_13, %dma_start3A_14] : memref<512x64xf32, #tpu.memory_space<vmem>> -> memref<128x64xf32, #tpu.memory_space<vmem>>
    %dma_start3A_16 = arith.constant 0 : i32
    %dma_start3A_17 = tpu.memref_slice %arg6[%dma_start3A_12, %dma_start3A_16] : memref<4x128xi32, #tpu.memory_space<vmem>> -> memref<1x128xi32, #tpu.memory_space<vmem>>
    %dma_start3A_18 = tpu.memref_squeeze %dma_start3A_17 : memref<1x128xi32, #tpu.memory_space<vmem>> -> memref<128xi32, #tpu.memory_space<vmem>>
    %dma_start3A_19 = arith.constant 0 : i32
    %dma_start3A_20 = arith.constant 0 : i32
    %dma_start3A_21 = tpu.memref_slice %arg2[%dma_start3A_19, %dma_start3A_20] : memref<1024x64xf32, #tpu.memory_space<hbm>> -> memref<1024x64xf32, #tpu.memory_space<hbm>>
    tpu.enqueue_indirect_dma source(%dma_start3A_21 : memref<1024x64xf32, #tpu.memory_space<hbm>>) target(%dma_start3A_15 : memref<128x64xf32, #tpu.memory_space<vmem>>) offsets(%dma_start3A_18 : memref<128xi32, #tpu.memory_space<vmem>>) semaphore(%arg10 : memref<!tpu.dma_semaphore, #tpu.memory_space<semaphore_mem>>)
    %dma_start3A_22 = arith.constant 2 : i32
    %dma_start3A_23 = arith.constant 256 : i32
    %dma_start3A_24 = arith.constant 0 : i32
    %dma_start3A_25 = tpu.memref_slice %arg7[%dma_start3A_23, %dma_start3A_24] : memref<512x64xf32, #tpu.memory_space<vmem>> -> memref<128x64xf32, #tpu.memory_space<vmem>>
    %dma_start3A_26 = arith.constant 0 : i32
    %dma_start3A_27 = tpu.memref_slice %arg6[%dma_start3A_22, %dma_start3A_26] : memref<4x128xi32, #tpu.memory_space<vmem>> -> memref<1x128xi32, #tpu.memory_space<vmem>>
    %dma_start3A_28 = tpu.memref_squeeze %dma_start3A_27 : memref<1x128xi32, #tpu.memory_space<vmem>> -> memref<128xi32, #tpu.memory_space<vmem>>
    %dma_start3A_29 = arith.constant 0 : i32
    %dma_start3A_30 = arith.constant 0 : i32
    %dma_start3A_31 = tpu.memref_slice %arg2[%dma_start3A_29, %dma_start3A_30] : memref<1024x64xf32, #tpu.memory_space<hbm>> -> memref<1024x64xf32, #tpu.memory_space<hbm>>
    tpu.enqueue_indirect_dma source(%dma_start3A_31 : memref<1024x64xf32, #tpu.memory_space<hbm>>) target(%dma_start3A_25 : memref<128x64xf32, #tpu.memory_space<vmem>>) offsets(%dma_start3A_28 : memref<128xi32, #tpu.memory_space<vmem>>) semaphore(%arg10 : memref<!tpu.dma_semaphore, #tpu.memory_space<semaphore_mem>>)
    %dma_start3A_32 = arith.constant 3 : i32
    %dma_start3A_33 = arith.constant 384 : i32
    %dma_start3A_34 = arith.constant 0 : i32
    %dma_start3A_35 = tpu.memref_slice %arg7[%dma_start3A_33, %dma_start3A_34] : memref<512x64xf32, #tpu.memory_space<vmem>> -> memref<128x64xf32, #tpu.memory_space<vmem>>
    %dma_start3A_36 = arith.constant 0 : i32
    %dma_start3A_37 = tpu.memref_slice %arg6[%dma_start3A_32, %dma_start3A_36] : memref<4x128xi32, #tpu.memory_space<vmem>> -> memref<1x128xi32, #tpu.memory_space<vmem>>
    %dma_start3A_38 = tpu.memref_squeeze %dma_start3A_37 : memref<1x128xi32, #tpu.memory_space<vmem>> -> memref<128xi32, #tpu.memory_space<vmem>>
    %dma_start3A_39 = arith.constant 0 : i32
    %dma_start3A_40 = arith.constant 0 : i32
    %dma_start3A_41 = tpu.memref_slice %arg2[%dma_start3A_39, %dma_start3A_40] : memref<1024x64xf32, #tpu.memory_space<hbm>> -> memref<1024x64xf32, #tpu.memory_space<hbm>>
    tpu.enqueue_indirect_dma source(%dma_start3A_41 : memref<1024x64xf32, #tpu.memory_space<hbm>>) target(%dma_start3A_35 : memref<128x64xf32, #tpu.memory_space<vmem>>) offsets(%dma_start3A_38 : memref<128xi32, #tpu.memory_space<vmem>>) semaphore(%arg10 : memref<!tpu.dma_semaphore, #tpu.memory_space<semaphore_mem>>)
    %iota3A = tpu.iota {dimensions = array<i32: 0>} : vector<16xi32>
    %broadcast_in_dim3A = arith.constant 1.000000e+00 : f32
    %broadcast_in_dim3A_42 = vector.broadcast %broadcast_in_dim3A : f32 to vector<16xf32>
    %broadcast_in_dim3A_43 = arith.constant 0.000000e+00 : f32
    %broadcast_in_dim3A_44 = vector.broadcast %broadcast_in_dim3A_43 : f32 to vector<16xf32>
    %scan3A = arith.constant 0 : i32
    %scan3A_45 = arith.constant 0 : i32
    %scan3A_46 = arith.constant 64 : i32
    %scan3A_47 = arith.addi %scan3A_45, %scan3A_46 : i32
    %scan3A_48 = arith.constant 1 : i32
    %scan3A_49 = scf.for %scan3A_224 = %scan3A_45 to %scan3A_47 step %scan3A_48 iter_args(%scan3A_225 = %scan3A) -> (i32)  : i32 {
      %mul3A_226 = arith.constant 16 : i32
      %mul3A_227 = arith.muli %scan3A_224, %mul3A_226 : i32
      %swap3A = arith.constant 0 : i32
      %swap3A_228 = arith.index_cast %swap3A : i32 to index
      %swap3A_229 = arith.index_cast %mul3A_227 : i32 to index
      %swap3A_230 = tpu.vector_load %arg8[%swap3A_228, %swap3A_229] {strides = array<i32>} : memref<16x1024xf32, #tpu.memory_space<vmem>>, vector<16xf32>,
      tpu.vector_store %arg8[%swap3A_228, %swap3A_229], %broadcast_in_dim3A_44 {strides = array<i32>} : memref<16x1024xf32, #tpu.memory_space<vmem>>, vector<16xf32>,
      %mul3A_231 = arith.constant 16 : i32
      %mul3A_232 = arith.muli %scan3A_224, %mul3A_231 : i32
      %swap3A_233 = arith.constant 1 : i32
      %swap3A_234 = arith.index_cast %swap3A_233 : i32 to index
      %swap3A_235 = arith.index_cast %mul3A_232 : i32 to index
      %swap3A_236 = tpu.vector_load %arg8[%swap3A_234, %swap3A_235] {strides = array<i32>} : memref<16x1024xf32, #tpu.memory_space<vmem>>, vector<16xf32>,
      tpu.vector_store %arg8[%swap3A_234, %swap3A_235], %broadcast_in_dim3A_44 {strides = array<i32>} : memref<16x1024xf32, #tpu.memory_space<vmem>>, vector<16xf32>,
      %mul3A_237 = arith.constant 16 : i32
      %mul3A_238 = arith.muli %scan3A_224, %mul3A_237 : i32
      %swap3A_239 = arith.constant 2 : i32
      %swap3A_240 = arith.index_cast %swap3A_239 : i32 to index
      %swap3A_241 = arith.index_cast %mul3A_238 : i32 to index
      %swap3A_242 = tpu.vector_load %arg8[%swap3A_240, %swap3A_241] {strides = array<i32>} : memref<16x1024xf32, #tpu.memory_space<vmem>>, vector<16xf32>,
      tpu.vector_store %arg8[%swap3A_240, %swap3A_241], %broadcast_in_dim3A_44 {strides = array<i32>} : memref<16x1024xf32, #tpu.memory_space<vmem>>, vector<16xf32>,
      %mul3A_243 = arith.constant 16 : i32
      %mul3A_244 = arith.muli %scan3A_224, %mul3A_243 : i32
      %swap3A_245 = arith.constant 3 : i32
      %swap3A_246 = arith.index_cast %swap3A_245 : i32 to index
      %swap3A_247 = arith.index_cast %mul3A_244 : i32 to index
      %swap3A_248 = tpu.vector_load %arg8[%swap3A_246, %swap3A_247] {strides = array<i32>} : memref<16x1024xf32, #tpu.memory_space<vmem>>, vector<16xf32>,
      tpu.vector_store %arg8[%swap3A_246, %swap3A_247], %broadcast_in_dim3A_44 {strides = array<i32>} : memref<16x1024xf32, #tpu.memory_space<vmem>>, vector<16xf32>,
      %mul3A_249 = arith.constant 16 : i32
      %mul3A_250 = arith.muli %scan3A_224, %mul3A_249 : i32
      %swap3A_251 = arith.constant 4 : i32
      %swap3A_252 = arith.index_cast %swap3A_251 : i32 to index
      %swap3A_253 = arith.index_cast %mul3A_250 : i32 to index
      %swap3A_254 = tpu.vector_load %arg8[%swap3A_252, %swap3A_253] {strides = array<i32>} : memref<16x1024xf32, #tpu.memory_space<vmem>>, vector<16xf32>,
      tpu.vector_store %arg8[%swap3A_252, %swap3A_253], %broadcast_in_dim3A_44 {strides = array<i32>} : memref<16x1024xf32, #tpu.memory_space<vmem>>, vector<16xf32>,
      %mul3A_255 = arith.constant 16 : i32
      %mul3A_256 = arith.muli %scan3A_224, %mul3A_255 : i32
      %swap3A_257 = arith.constant 5 : i32
      %swap3A_258 = arith.index_cast %swap3A_257 : i32 to index
      %swap3A_259 = arith.index_cast %mul3A_256 : i32 to index
      %swap3A_260 = tpu.vector_load %arg8[%swap3A_258, %swap3A_259] {strides = array<i32>} : memref<16x1024xf32, #tpu.memory_space<vmem>>, vector<16xf32>,
      tpu.vector_store %arg8[%swap3A_258, %swap3A_259], %broadcast_in_dim3A_44 {strides = array<i32>} : memref<16x1024xf32, #tpu.memory_space<vmem>>, vector<16xf32>,
      %mul3A_261 = arith.constant 16 : i32
      %mul3A_262 = arith.muli %scan3A_224, %mul3A_261 : i32
      %swap3A_263 = arith.constant 6 : i32
      %swap3A_264 = arith.index_cast %swap3A_263 : i32 to index
      %swap3A_265 = arith.index_cast %mul3A_262 : i32 to index
      %swap3A_266 = tpu.vector_load %arg8[%swap3A_264, %swap3A_265] {strides = array<i32>} : memref<16x1024xf32, #tpu.memory_space<vmem>>, vector<16xf32>,
      tpu.vector_store %arg8[%swap3A_264, %swap3A_265], %broadcast_in_dim3A_44 {strides = array<i32>} : memref<16x1024xf32, #tpu.memory_space<vmem>>, vector<16xf32>,
      %mul3A_267 = arith.constant 16 : i32
      %mul3A_268 = arith.muli %scan3A_224, %mul3A_267 : i32
      %swap3A_269 = arith.constant 7 : i32
      %swap3A_270 = arith.index_cast %swap3A_269 : i32 to index
      %swap3A_271 = arith.index_cast %mul3A_268 : i32 to index
      %swap3A_272 = tpu.vector_load %arg8[%swap3A_270, %swap3A_271] {strides = array<i32>} : memref<16x1024xf32, #tpu.memory_space<vmem>>, vector<16xf32>,
      tpu.vector_store %arg8[%swap3A_270, %swap3A_271], %broadcast_in_dim3A_44 {strides = array<i32>} : memref<16x1024xf32, #tpu.memory_space<vmem>>, vector<16xf32>,
      %mul3A_273 = arith.constant 16 : i32
      %mul3A_274 = arith.muli %scan3A_224, %mul3A_273 : i32
      %swap3A_275 = arith.constant 8 : i32
      %swap3A_276 = arith.index_cast %swap3A_275 : i32 to index
      %swap3A_277 = arith.index_cast %mul3A_274 : i32 to index
      %swap3A_278 = tpu.vector_load %arg8[%swap3A_276, %swap3A_277] {strides = array<i32>} : memref<16x1024xf32, #tpu.memory_space<vmem>>, vector<16xf32>,
      tpu.vector_store %arg8[%swap3A_276, %swap3A_277], %broadcast_in_dim3A_44 {strides = array<i32>} : memref<16x1024xf32, #tpu.memory_space<vmem>>, vector<16xf32>,
      %mul3A_279 = arith.constant 16 : i32
      %mul3A_280 = arith.muli %scan3A_224, %mul3A_279 : i32
      %swap3A_281 = arith.constant 9 : i32
      %swap3A_282 = arith.index_cast %swap3A_281 : i32 to index
      %swap3A_283 = arith.index_cast %mul3A_280 : i32 to index
      %swap3A_284 = tpu.vector_load %arg8[%swap3A_282, %swap3A_283] {strides = array<i32>} : memref<16x1024xf32, #tpu.memory_space<vmem>>, vector<16xf32>,
      tpu.vector_store %arg8[%swap3A_282, %swap3A_283], %broadcast_in_dim3A_44 {strides = array<i32>} : memref<16x1024xf32, #tpu.memory_space<vmem>>, vector<16xf32>,
      %mul3A_285 = arith.constant 16 : i32
      %mul3A_286 = arith.muli %scan3A_224, %mul3A_285 : i32
      %swap3A_287 = arith.constant 10 : i32
      %swap3A_288 = arith.index_cast %swap3A_287 : i32 to index
      %swap3A_289 = arith.index_cast %mul3A_286 : i32 to index
      %swap3A_290 = tpu.vector_load %arg8[%swap3A_288, %swap3A_289] {strides = array<i32>} : memref<16x1024xf32, #tpu.memory_space<vmem>>, vector<16xf32>,
      tpu.vector_store %arg8[%swap3A_288, %swap3A_289], %broadcast_in_dim3A_44 {strides = array<i32>} : memref<16x1024xf32, #tpu.memory_space<vmem>>, vector<16xf32>,
      %mul3A_291 = arith.constant 16 : i32
      %mul3A_292 = arith.muli %scan3A_224, %mul3A_291 : i32
      %swap3A_293 = arith.constant 11 : i32
      %swap3A_294 = arith.index_cast %swap3A_293 : i32 to index
      %swap3A_295 = arith.index_cast %mul3A_292 : i32 to index
      %swap3A_296 = tpu.vector_load %arg8[%swap3A_294, %swap3A_295] {strides = array<i32>} : memref<16x1024xf32, #tpu.memory_space<vmem>>, vector<16xf32>,
      tpu.vector_store %arg8[%swap3A_294, %swap3A_295], %broadcast_in_dim3A_44 {strides = array<i32>} : memref<16x1024xf32, #tpu.memory_space<vmem>>, vector<16xf32>,
      %mul3A_297 = arith.constant 16 : i32
      %mul3A_298 = arith.muli %scan3A_224, %mul3A_297 : i32
      %swap3A_299 = arith.constant 12 : i32
      %swap3A_300 = arith.index_cast %swap3A_299 : i32 to index
      %swap3A_301 = arith.index_cast %mul3A_298 : i32 to index
      %swap3A_302 = tpu.vector_load %arg8[%swap3A_300, %swap3A_301] {strides = array<i32>} : memref<16x1024xf32, #tpu.memory_space<vmem>>, vector<16xf32>,
      tpu.vector_store %arg8[%swap3A_300, %swap3A_301], %broadcast_in_dim3A_44 {strides = array<i32>} : memref<16x1024xf32, #tpu.memory_space<vmem>>, vector<16xf32>,
      %mul3A_303 = arith.constant 16 : i32
      %mul3A_304 = arith.muli %scan3A_224, %mul3A_303 : i32
      %swap3A_305 = arith.constant 13 : i32
      %swap3A_306 = arith.index_cast %swap3A_305 : i32 to index
      %swap3A_307 = arith.index_cast %mul3A_304 : i32 to index
      %swap3A_308 = tpu.vector_load %arg8[%swap3A_306, %swap3A_307] {strides = array<i32>} : memref<16x1024xf32, #tpu.memory_space<vmem>>, vector<16xf32>,
      tpu.vector_store %arg8[%swap3A_306, %swap3A_307], %broadcast_in_dim3A_44 {strides = array<i32>} : memref<16x1024xf32, #tpu.memory_space<vmem>>, vector<16xf32>,
      %mul3A_309 = arith.constant 16 : i32
      %mul3A_310 = arith.muli %scan3A_224, %mul3A_309 : i32
      %swap3A_311 = arith.constant 14 : i32
      %swap3A_312 = arith.index_cast %swap3A_311 : i32 to index
      %swap3A_313 = arith.index_cast %mul3A_310 : i32 to index
      %swap3A_314 = tpu.vector_load %arg8[%swap3A_312, %swap3A_313] {strides = array<i32>} : memref<16x1024xf32, #tpu.memory_space<vmem>>, vector<16xf32>,
      tpu.vector_store %arg8[%swap3A_312, %swap3A_313], %broadcast_in_dim3A_44 {strides = array<i32>} : memref<16x1024xf32, #tpu.memory_space<vmem>>, vector<16xf32>,
      %mul3A_315 = arith.constant 16 : i32
      %mul3A_316 = arith.muli %scan3A_224, %mul3A_315 : i32
      %swap3A_317 = arith.constant 15 : i32
      %swap3A_318 = arith.index_cast %swap3A_317 : i32 to index
      %swap3A_319 = arith.index_cast %mul3A_316 : i32 to index
      %swap3A_320 = tpu.vector_load %arg8[%swap3A_318, %swap3A_319] {strides = array<i32>} : memref<16x1024xf32, #tpu.memory_space<vmem>>, vector<16xf32>,
      tpu.vector_store %arg8[%swap3A_318, %swap3A_319], %broadcast_in_dim3A_44 {strides = array<i32>} : memref<16x1024xf32, #tpu.memory_space<vmem>>, vector<16xf32>,
      %scan3A_321 = arith.constant 0 : i32
      scf.yield %scan3A_321 : i32
    }
    %scan3A_50 = arith.constant 64 : i32
    %get3A = arith.constant 0 : i32
    %get3A_51 = arith.index_cast %get3A : i32 to index
    %get3A_52 = arith.constant 0 : index
    %get3A_53 = tpu.vector_load %arg6[%get3A_51, %get3A_52] {strides = array<i32>} : memref<4x128xi32, #tpu.memory_space<vmem>>, vector<16xi32>,
    tpu.vector_store_idx %arg8[%iota3A, %get3A_53], %broadcast_in_dim3A_42 {add = true} : memref<16x1024xf32, #tpu.memory_space<vmem>>[vector<16xi32>, vector<16xi32>], vector<16xf32>,
    %get3A_54 = arith.constant 0 : i32
    %get3A_55 = arith.index_cast %get3A_54 : i32 to index
    %get3A_56 = arith.constant 16 : index
    %get3A_57 = tpu.vector_load %arg6[%get3A_55, %get3A_56] {strides = array<i32>} : memref<4x128xi32, #tpu.memory_space<vmem>>, vector<16xi32>,
    tpu.vector_store_idx %arg8[%iota3A, %get3A_57], %broadcast_in_dim3A_42 {add = true} : memref<16x1024xf32, #tpu.memory_space<vmem>>[vector<16xi32>, vector<16xi32>], vector<16xf32>,
    %get3A_58 = arith.constant 0 : i32
    %get3A_59 = arith.index_cast %get3A_58 : i32 to index
    %get3A_60 = arith.constant 32 : index
    %get3A_61 = tpu.vector_load %arg6[%get3A_59, %get3A_60] {strides = array<i32>} : memref<4x128xi32, #tpu.memory_space<vmem>>, vector<16xi32>,
    tpu.vector_store_idx %arg8[%iota3A, %get3A_61], %broadcast_in_dim3A_42 {add = true} : memref<16x1024xf32, #tpu.memory_space<vmem>>[vector<16xi32>, vector<16xi32>], vector<16xf32>,
    %get3A_62 = arith.constant 0 : i32
    %get3A_63 = arith.index_cast %get3A_62 : i32 to index
    %get3A_64 = arith.constant 48 : index
    %get3A_65 = tpu.vector_load %arg6[%get3A_63, %get3A_64] {strides = array<i32>} : memref<4x128xi32, #tpu.memory_space<vmem>>, vector<16xi32>,
    tpu.vector_store_idx %arg8[%iota3A, %get3A_65], %broadcast_in_dim3A_42 {add = true} : memref<16x1024xf32, #tpu.memory_space<vmem>>[vector<16xi32>, vector<16xi32>], vector<16xf32>,
    %get3A_66 = arith.constant 0 : i32
    %get3A_67 = arith.index_cast %get3A_66 : i32 to index
    %get3A_68 = arith.constant 64 : index
    %get3A_69 = tpu.vector_load %arg6[%get3A_67, %get3A_68] {strides = array<i32>} : memref<4x128xi32, #tpu.memory_space<vmem>>, vector<16xi32>,
    tpu.vector_store_idx %arg8[%iota3A, %get3A_69], %broadcast_in_dim3A_42 {add = true} : memref<16x1024xf32, #tpu.memory_space<vmem>>[vector<16xi32>, vector<16xi32>], vector<16xf32>,
    %get3A_70 = arith.constant 0 : i32
    %get3A_71 = arith.index_cast %get3A_70 : i32 to index
    %get3A_72 = arith.constant 80 : index
    %get3A_73 = tpu.vector_load %arg6[%get3A_71, %get3A_72] {strides = array<i32>} : memref<4x128xi32, #tpu.memory_space<vmem>>, vector<16xi32>,
    tpu.vector_store_idx %arg8[%iota3A, %get3A_73], %broadcast_in_dim3A_42 {add = true} : memref<16x1024xf32, #tpu.memory_space<vmem>>[vector<16xi32>, vector<16xi32>], vector<16xf32>,
    %get3A_74 = arith.constant 0 : i32
    %get3A_75 = arith.index_cast %get3A_74 : i32 to index
    %get3A_76 = arith.constant 96 : index
    %get3A_77 = tpu.vector_load %arg6[%get3A_75, %get3A_76] {strides = array<i32>} : memref<4x128xi32, #tpu.memory_space<vmem>>, vector<16xi32>,
    tpu.vector_store_idx %arg8[%iota3A, %get3A_77], %broadcast_in_dim3A_42 {add = true} : memref<16x1024xf32, #tpu.memory_space<vmem>>[vector<16xi32>, vector<16xi32>], vector<16xf32>,
    %get3A_78 = arith.constant 0 : i32
    %get3A_79 = arith.index_cast %get3A_78 : i32 to index
    %get3A_80 = arith.constant 112 : index
    %get3A_81 = tpu.vector_load %arg6[%get3A_79, %get3A_80] {strides = array<i32>} : memref<4x128xi32, #tpu.memory_space<vmem>>, vector<16xi32>,
    tpu.vector_store_idx %arg8[%iota3A, %get3A_81], %broadcast_in_dim3A_42 {add = true} : memref<16x1024xf32, #tpu.memory_space<vmem>>[vector<16xi32>, vector<16xi32>], vector<16xf32>,
    %get3A_82 = arith.constant 1 : i32
    %get3A_83 = arith.index_cast %get3A_82 : i32 to index
    %get3A_84 = arith.constant 0 : index
    %get3A_85 = tpu.vector_load %arg6[%get3A_83, %get3A_84] {strides = array<i32>} : memref<4x128xi32, #tpu.memory_space<vmem>>, vector<16xi32>,
    tpu.vector_store_idx %arg8[%iota3A, %get3A_85], %broadcast_in_dim3A_42 {add = true} : memref<16x1024xf32, #tpu.memory_space<vmem>>[vector<16xi32>, vector<16xi32>], vector<16xf32>,
    %get3A_86 = arith.constant 1 : i32
    %get3A_87 = arith.index_cast %get3A_86 : i32 to index
    %get3A_88 = arith.constant 16 : index
    %get3A_89 = tpu.vector_load %arg6[%get3A_87, %get3A_88] {strides = array<i32>} : memref<4x128xi32, #tpu.memory_space<vmem>>, vector<16xi32>,
    tpu.vector_store_idx %arg8[%iota3A, %get3A_89], %broadcast_in_dim3A_42 {add = true} : memref<16x1024xf32, #tpu.memory_space<vmem>>[vector<16xi32>, vector<16xi32>], vector<16xf32>,
    %get3A_90 = arith.constant 1 : i32
    %get3A_91 = arith.index_cast %get3A_90 : i32 to index
    %get3A_92 = arith.constant 32 : index
    %get3A_93 = tpu.vector_load %arg6[%get3A_91, %get3A_92] {strides = array<i32>} : memref<4x128xi32, #tpu.memory_space<vmem>>, vector<16xi32>,
    tpu.vector_store_idx %arg8[%iota3A, %get3A_93], %broadcast_in_dim3A_42 {add = true} : memref<16x1024xf32, #tpu.memory_space<vmem>>[vector<16xi32>, vector<16xi32>], vector<16xf32>,
    %get3A_94 = arith.constant 1 : i32
    %get3A_95 = arith.index_cast %get3A_94 : i32 to index
    %get3A_96 = arith.constant 48 : index
    %get3A_97 = tpu.vector_load %arg6[%get3A_95, %get3A_96] {strides = array<i32>} : memref<4x128xi32, #tpu.memory_space<vmem>>, vector<16xi32>,
    tpu.vector_store_idx %arg8[%iota3A, %get3A_97], %broadcast_in_dim3A_42 {add = true} : memref<16x1024xf32, #tpu.memory_space<vmem>>[vector<16xi32>, vector<16xi32>], vector<16xf32>,
    %get3A_98 = arith.constant 1 : i32
    %get3A_99 = arith.index_cast %get3A_98 : i32 to index
    %get3A_100 = arith.constant 64 : index
    %get3A_101 = tpu.vector_load %arg6[%get3A_99, %get3A_100] {strides = array<i32>} : memref<4x128xi32, #tpu.memory_space<vmem>>, vector<16xi32>,
    tpu.vector_store_idx %arg8[%iota3A, %get3A_101], %broadcast_in_dim3A_42 {add = true} : memref<16x1024xf32, #tpu.memory_space<vmem>>[vector<16xi32>, vector<16xi32>], vector<16xf32>,
    %get3A_102 = arith.constant 1 : i32
    %get3A_103 = arith.index_cast %get3A_102 : i32 to index
    %get3A_104 = arith.constant 80 : index
    %get3A_105 = tpu.vector_load %arg6[%get3A_103, %get3A_104] {strides = array<i32>} : memref<4x128xi32, #tpu.memory_space<vmem>>, vector<16xi32>,
    tpu.vector_store_idx %arg8[%iota3A, %get3A_105], %broadcast_in_dim3A_42 {add = true} : memref<16x1024xf32, #tpu.memory_space<vmem>>[vector<16xi32>, vector<16xi32>], vector<16xf32>,
    %get3A_106 = arith.constant 1 : i32
    %get3A_107 = arith.index_cast %get3A_106 : i32 to index
    %get3A_108 = arith.constant 96 : index
    %get3A_109 = tpu.vector_load %arg6[%get3A_107, %get3A_108] {strides = array<i32>} : memref<4x128xi32, #tpu.memory_space<vmem>>, vector<16xi32>,
    tpu.vector_store_idx %arg8[%iota3A, %get3A_109], %broadcast_in_dim3A_42 {add = true} : memref<16x1024xf32, #tpu.memory_space<vmem>>[vector<16xi32>, vector<16xi32>], vector<16xf32>,
    %get3A_110 = arith.constant 1 : i32
    %get3A_111 = arith.index_cast %get3A_110 : i32 to index
    %get3A_112 = arith.constant 112 : index
    %get3A_113 = tpu.vector_load %arg6[%get3A_111, %get3A_112] {strides = array<i32>} : memref<4x128xi32, #tpu.memory_space<vmem>>, vector<16xi32>,
    tpu.vector_store_idx %arg8[%iota3A, %get3A_113], %broadcast_in_dim3A_42 {add = true} : memref<16x1024xf32, #tpu.memory_space<vmem>>[vector<16xi32>, vector<16xi32>], vector<16xf32>,
    %get3A_114 = arith.constant 2 : i32
    %get3A_115 = arith.index_cast %get3A_114 : i32 to index
    %get3A_116 = arith.constant 0 : index
    %get3A_117 = tpu.vector_load %arg6[%get3A_115, %get3A_116] {strides = array<i32>} : memref<4x128xi32, #tpu.memory_space<vmem>>, vector<16xi32>,
    tpu.vector_store_idx %arg8[%iota3A, %get3A_117], %broadcast_in_dim3A_42 {add = true} : memref<16x1024xf32, #tpu.memory_space<vmem>>[vector<16xi32>, vector<16xi32>], vector<16xf32>,
    %get3A_118 = arith.constant 2 : i32
    %get3A_119 = arith.index_cast %get3A_118 : i32 to index
    %get3A_120 = arith.constant 16 : index
    %get3A_121 = tpu.vector_load %arg6[%get3A_119, %get3A_120] {strides = array<i32>} : memref<4x128xi32, #tpu.memory_space<vmem>>, vector<16xi32>,
    tpu.vector_store_idx %arg8[%iota3A, %get3A_121], %broadcast_in_dim3A_42 {add = true} : memref<16x1024xf32, #tpu.memory_space<vmem>>[vector<16xi32>, vector<16xi32>], vector<16xf32>,
    %get3A_122 = arith.constant 2 : i32
    %get3A_123 = arith.index_cast %get3A_122 : i32 to index
    %get3A_124 = arith.constant 32 : index
    %get3A_125 = tpu.vector_load %arg6[%get3A_123, %get3A_124] {strides = array<i32>} : memref<4x128xi32, #tpu.memory_space<vmem>>, vector<16xi32>,
    tpu.vector_store_idx %arg8[%iota3A, %get3A_125], %broadcast_in_dim3A_42 {add = true} : memref<16x1024xf32, #tpu.memory_space<vmem>>[vector<16xi32>, vector<16xi32>], vector<16xf32>,
    %get3A_126 = arith.constant 2 : i32
    %get3A_127 = arith.index_cast %get3A_126 : i32 to index
    %get3A_128 = arith.constant 48 : index
    %get3A_129 = tpu.vector_load %arg6[%get3A_127, %get3A_128] {strides = array<i32>} : memref<4x128xi32, #tpu.memory_space<vmem>>, vector<16xi32>,
    tpu.vector_store_idx %arg8[%iota3A, %get3A_129], %broadcast_in_dim3A_42 {add = true} : memref<16x1024xf32, #tpu.memory_space<vmem>>[vector<16xi32>, vector<16xi32>], vector<16xf32>,
    %get3A_130 = arith.constant 2 : i32
    %get3A_131 = arith.index_cast %get3A_130 : i32 to index
    %get3A_132 = arith.constant 64 : index
    %get3A_133 = tpu.vector_load %arg6[%get3A_131, %get3A_132] {strides = array<i32>} : memref<4x128xi32, #tpu.memory_space<vmem>>, vector<16xi32>,
    tpu.vector_store_idx %arg8[%iota3A, %get3A_133], %broadcast_in_dim3A_42 {add = true} : memref<16x1024xf32, #tpu.memory_space<vmem>>[vector<16xi32>, vector<16xi32>], vector<16xf32>,
    %get3A_134 = arith.constant 2 : i32
    %get3A_135 = arith.index_cast %get3A_134 : i32 to index
    %get3A_136 = arith.constant 80 : index
    %get3A_137 = tpu.vector_load %arg6[%get3A_135, %get3A_136] {strides = array<i32>} : memref<4x128xi32, #tpu.memory_space<vmem>>, vector<16xi32>,
    tpu.vector_store_idx %arg8[%iota3A, %get3A_137], %broadcast_in_dim3A_42 {add = true} : memref<16x1024xf32, #tpu.memory_space<vmem>>[vector<16xi32>, vector<16xi32>], vector<16xf32>,
    %get3A_138 = arith.constant 2 : i32
    %get3A_139 = arith.index_cast %get3A_138 : i32 to index
    %get3A_140 = arith.constant 96 : index
    %get3A_141 = tpu.vector_load %arg6[%get3A_139, %get3A_140] {strides = array<i32>} : memref<4x128xi32, #tpu.memory_space<vmem>>, vector<16xi32>,
    tpu.vector_store_idx %arg8[%iota3A, %get3A_141], %broadcast_in_dim3A_42 {add = true} : memref<16x1024xf32, #tpu.memory_space<vmem>>[vector<16xi32>, vector<16xi32>], vector<16xf32>,
    %get3A_142 = arith.constant 2 : i32
    %get3A_143 = arith.index_cast %get3A_142 : i32 to index
    %get3A_144 = arith.constant 112 : index
    %get3A_145 = tpu.vector_load %arg6[%get3A_143, %get3A_144] {strides = array<i32>} : memref<4x128xi32, #tpu.memory_space<vmem>>, vector<16xi32>,
    tpu.vector_store_idx %arg8[%iota3A, %get3A_145], %broadcast_in_dim3A_42 {add = true} : memref<16x1024xf32, #tpu.memory_space<vmem>>[vector<16xi32>, vector<16xi32>], vector<16xf32>,
    %get3A_146 = arith.constant 3 : i32
    %get3A_147 = arith.index_cast %get3A_146 : i32 to index
    %get3A_148 = arith.constant 0 : index
    %get3A_149 = tpu.vector_load %arg6[%get3A_147, %get3A_148] {strides = array<i32>} : memref<4x128xi32, #tpu.memory_space<vmem>>, vector<16xi32>,
    tpu.vector_store_idx %arg8[%iota3A, %get3A_149], %broadcast_in_dim3A_42 {add = true} : memref<16x1024xf32, #tpu.memory_space<vmem>>[vector<16xi32>, vector<16xi32>], vector<16xf32>,
    %get3A_150 = arith.constant 3 : i32
    %get3A_151 = arith.index_cast %get3A_150 : i32 to index
    %get3A_152 = arith.constant 16 : index
    %get3A_153 = tpu.vector_load %arg6[%get3A_151, %get3A_152] {strides = array<i32>} : memref<4x128xi32, #tpu.memory_space<vmem>>, vector<16xi32>,
    tpu.vector_store_idx %arg8[%iota3A, %get3A_153], %broadcast_in_dim3A_42 {add = true} : memref<16x1024xf32, #tpu.memory_space<vmem>>[vector<16xi32>, vector<16xi32>], vector<16xf32>,
    %get3A_154 = arith.constant 3 : i32
    %get3A_155 = arith.index_cast %get3A_154 : i32 to index
    %get3A_156 = arith.constant 32 : index
    %get3A_157 = tpu.vector_load %arg6[%get3A_155, %get3A_156] {strides = array<i32>} : memref<4x128xi32, #tpu.memory_space<vmem>>, vector<16xi32>,
    tpu.vector_store_idx %arg8[%iota3A, %get3A_157], %broadcast_in_dim3A_42 {add = true} : memref<16x1024xf32, #tpu.memory_space<vmem>>[vector<16xi32>, vector<16xi32>], vector<16xf32>,
    %get3A_158 = arith.constant 3 : i32
    %get3A_159 = arith.index_cast %get3A_158 : i32 to index
    %get3A_160 = arith.constant 48 : index
    %get3A_161 = tpu.vector_load %arg6[%get3A_159, %get3A_160] {strides = array<i32>} : memref<4x128xi32, #tpu.memory_space<vmem>>, vector<16xi32>,
    tpu.vector_store_idx %arg8[%iota3A, %get3A_161], %broadcast_in_dim3A_42 {add = true} : memref<16x1024xf32, #tpu.memory_space<vmem>>[vector<16xi32>, vector<16xi32>], vector<16xf32>,
    %get3A_162 = arith.constant 3 : i32
    %get3A_163 = arith.index_cast %get3A_162 : i32 to index
    %get3A_164 = arith.constant 64 : index
    %get3A_165 = tpu.vector_load %arg6[%get3A_163, %get3A_164] {strides = array<i32>} : memref<4x128xi32, #tpu.memory_space<vmem>>, vector<16xi32>,
    tpu.vector_store_idx %arg8[%iota3A, %get3A_165], %broadcast_in_dim3A_42 {add = true} : memref<16x1024xf32, #tpu.memory_space<vmem>>[vector<16xi32>, vector<16xi32>], vector<16xf32>,
    %get3A_166 = arith.constant 3 : i32
    %get3A_167 = arith.index_cast %get3A_166 : i32 to index
    %get3A_168 = arith.constant 80 : index
    %get3A_169 = tpu.vector_load %arg6[%get3A_167, %get3A_168] {strides = array<i32>} : memref<4x128xi32, #tpu.memory_space<vmem>>, vector<16xi32>,
    tpu.vector_store_idx %arg8[%iota3A, %get3A_169], %broadcast_in_dim3A_42 {add = true} : memref<16x1024xf32, #tpu.memory_space<vmem>>[vector<16xi32>, vector<16xi32>], vector<16xf32>,
    %get3A_170 = arith.constant 3 : i32
    %get3A_171 = arith.index_cast %get3A_170 : i32 to index
    %get3A_172 = arith.constant 96 : index
    %get3A_173 = tpu.vector_load %arg6[%get3A_171, %get3A_172] {strides = array<i32>} : memref<4x128xi32, #tpu.memory_space<vmem>>, vector<16xi32>,
    tpu.vector_store_idx %arg8[%iota3A, %get3A_173], %broadcast_in_dim3A_42 {add = true} : memref<16x1024xf32, #tpu.memory_space<vmem>>[vector<16xi32>, vector<16xi32>], vector<16xf32>,
    %get3A_174 = arith.constant 3 : i32
    %get3A_175 = arith.index_cast %get3A_174 : i32 to index
    %get3A_176 = arith.constant 112 : index
    %get3A_177 = tpu.vector_load %arg6[%get3A_175, %get3A_176] {strides = array<i32>} : memref<4x128xi32, #tpu.memory_space<vmem>>, vector<16xi32>,
    tpu.vector_store_idx %arg8[%iota3A, %get3A_177], %broadcast_in_dim3A_42 {add = true} : memref<16x1024xf32, #tpu.memory_space<vmem>>[vector<16xi32>, vector<16xi32>], vector<16xf32>,
    %scan3A_178 = arith.constant 0 : i32
    %scan3A_179 = arith.constant 0 : i32
    %scan3A_180 = arith.constant 64 : i32
    %scan3A_181 = arith.addi %scan3A_179, %scan3A_180 : i32
    %scan3A_182 = arith.constant 1 : i32
    %scan3A_183 = scf.for %scan3A_224 = %scan3A_179 to %scan3A_181 step %scan3A_182 iter_args(%scan3A_225 = %scan3A_178) -> (i32)  : i32 {
      %mul3A_226 = arith.constant 16 : i32
      %mul3A_227 = arith.muli %scan3A_224, %mul3A_226 : i32
      %get3A_228 = arith.constant 0 : i32
      %get3A_229 = arith.index_cast %get3A_228 : i32 to index
      %get3A_230 = arith.index_cast %mul3A_227 : i32 to index
      %get3A_231 = tpu.vector_load %arg8[%get3A_229, %get3A_230] {strides = array<i32>} : memref<16x1024xf32, #tpu.memory_space<vmem>>, vector<16xf32>,
      %mul3A_232 = arith.constant 16 : i32
      %mul3A_233 = arith.muli %scan3A_224, %mul3A_232 : i32
      %get3A_234 = arith.constant 1 : i32
      %get3A_235 = arith.index_cast %get3A_234 : i32 to index
      %get3A_236 = arith.index_cast %mul3A_233 : i32 to index
      %get3A_237 = tpu.vector_load %arg8[%get3A_235, %get3A_236] {strides = array<i32>} : memref<16x1024xf32, #tpu.memory_space<vmem>>, vector<16xf32>,
      %add3A_238 = arith.addf %get3A_231, %get3A_237 : vector<16xf32>
      %mul3A_239 = arith.constant 16 : i32
      %mul3A_240 = arith.muli %scan3A_224, %mul3A_239 : i32
      %get3A_241 = arith.constant 2 : i32
      %get3A_242 = arith.index_cast %get3A_241 : i32 to index
      %get3A_243 = arith.index_cast %mul3A_240 : i32 to index
      %get3A_244 = tpu.vector_load %arg8[%get3A_242, %get3A_243] {strides = array<i32>} : memref<16x1024xf32, #tpu.memory_space<vmem>>, vector<16xf32>,
      %add3A_245 = arith.addf %add3A_238, %get3A_244 : vector<16xf32>
      %mul3A_246 = arith.constant 16 : i32
      %mul3A_247 = arith.muli %scan3A_224, %mul3A_246 : i32
      %get3A_248 = arith.constant 3 : i32
      %get3A_249 = arith.index_cast %get3A_248 : i32 to index
      %get3A_250 = arith.index_cast %mul3A_247 : i32 to index
      %get3A_251 = tpu.vector_load %arg8[%get3A_249, %get3A_250] {strides = array<i32>} : memref<16x1024xf32, #tpu.memory_space<vmem>>, vector<16xf32>,
      %add3A_252 = arith.addf %add3A_245, %get3A_251 : vector<16xf32>
      %mul3A_253 = arith.constant 16 : i32
      %mul3A_254 = arith.muli %scan3A_224, %mul3A_253 : i32
      %get3A_255 = arith.constant 4 : i32
      %get3A_256 = arith.index_cast %get3A_255 : i32 to index
      %get3A_257 = arith.index_cast %mul3A_254 : i32 to index
      %get3A_258 = tpu.vector_load %arg8[%get3A_256, %get3A_257] {strides = array<i32>} : memref<16x1024xf32, #tpu.memory_space<vmem>>, vector<16xf32>,
      %add3A_259 = arith.addf %add3A_252, %get3A_258 : vector<16xf32>
      %mul3A_260 = arith.constant 16 : i32
      %mul3A_261 = arith.muli %scan3A_224, %mul3A_260 : i32
      %get3A_262 = arith.constant 5 : i32
      %get3A_263 = arith.index_cast %get3A_262 : i32 to index
      %get3A_264 = arith.index_cast %mul3A_261 : i32 to index
      %get3A_265 = tpu.vector_load %arg8[%get3A_263, %get3A_264] {strides = array<i32>} : memref<16x1024xf32, #tpu.memory_space<vmem>>, vector<16xf32>,
      %add3A_266 = arith.addf %add3A_259, %get3A_265 : vector<16xf32>
      %mul3A_267 = arith.constant 16 : i32
      %mul3A_268 = arith.muli %scan3A_224, %mul3A_267 : i32
      %get3A_269 = arith.constant 6 : i32
      %get3A_270 = arith.index_cast %get3A_269 : i32 to index
      %get3A_271 = arith.index_cast %mul3A_268 : i32 to index
      %get3A_272 = tpu.vector_load %arg8[%get3A_270, %get3A_271] {strides = array<i32>} : memref<16x1024xf32, #tpu.memory_space<vmem>>, vector<16xf32>,
      %add3A_273 = arith.addf %add3A_266, %get3A_272 : vector<16xf32>
      %mul3A_274 = arith.constant 16 : i32
      %mul3A_275 = arith.muli %scan3A_224, %mul3A_274 : i32
      %get3A_276 = arith.constant 7 : i32
      %get3A_277 = arith.index_cast %get3A_276 : i32 to index
      %get3A_278 = arith.index_cast %mul3A_275 : i32 to index
      %get3A_279 = tpu.vector_load %arg8[%get3A_277, %get3A_278] {strides = array<i32>} : memref<16x1024xf32, #tpu.memory_space<vmem>>, vector<16xf32>,
      %add3A_280 = arith.addf %add3A_273, %get3A_279 : vector<16xf32>
      %mul3A_281 = arith.constant 16 : i32
      %mul3A_282 = arith.muli %scan3A_224, %mul3A_281 : i32
      %get3A_283 = arith.constant 8 : i32
      %get3A_284 = arith.index_cast %get3A_283 : i32 to index
      %get3A_285 = arith.index_cast %mul3A_282 : i32 to index
      %get3A_286 = tpu.vector_load %arg8[%get3A_284, %get3A_285] {strides = array<i32>} : memref<16x1024xf32, #tpu.memory_space<vmem>>, vector<16xf32>,
      %add3A_287 = arith.addf %add3A_280, %get3A_286 : vector<16xf32>
      %mul3A_288 = arith.constant 16 : i32
      %mul3A_289 = arith.muli %scan3A_224, %mul3A_288 : i32
      %get3A_290 = arith.constant 9 : i32
      %get3A_291 = arith.index_cast %get3A_290 : i32 to index
      %get3A_292 = arith.index_cast %mul3A_289 : i32 to index
      %get3A_293 = tpu.vector_load %arg8[%get3A_291, %get3A_292] {strides = array<i32>} : memref<16x1024xf32, #tpu.memory_space<vmem>>, vector<16xf32>,
      %add3A_294 = arith.addf %add3A_287, %get3A_293 : vector<16xf32>
      %mul3A_295 = arith.constant 16 : i32
      %mul3A_296 = arith.muli %scan3A_224, %mul3A_295 : i32
      %get3A_297 = arith.constant 10 : i32
      %get3A_298 = arith.index_cast %get3A_297 : i32 to index
      %get3A_299 = arith.index_cast %mul3A_296 : i32 to index
      %get3A_300 = tpu.vector_load %arg8[%get3A_298, %get3A_299] {strides = array<i32>} : memref<16x1024xf32, #tpu.memory_space<vmem>>, vector<16xf32>,
      %add3A_301 = arith.addf %add3A_294, %get3A_300 : vector<16xf32>
      %mul3A_302 = arith.constant 16 : i32
      %mul3A_303 = arith.muli %scan3A_224, %mul3A_302 : i32
      %get3A_304 = arith.constant 11 : i32
      %get3A_305 = arith.index_cast %get3A_304 : i32 to index
      %get3A_306 = arith.index_cast %mul3A_303 : i32 to index
      %get3A_307 = tpu.vector_load %arg8[%get3A_305, %get3A_306] {strides = array<i32>} : memref<16x1024xf32, #tpu.memory_space<vmem>>, vector<16xf32>,
      %add3A_308 = arith.addf %add3A_301, %get3A_307 : vector<16xf32>
      %mul3A_309 = arith.constant 16 : i32
      %mul3A_310 = arith.muli %scan3A_224, %mul3A_309 : i32
      %get3A_311 = arith.constant 12 : i32
      %get3A_312 = arith.index_cast %get3A_311 : i32 to index
      %get3A_313 = arith.index_cast %mul3A_310 : i32 to index
      %get3A_314 = tpu.vector_load %arg8[%get3A_312, %get3A_313] {strides = array<i32>} : memref<16x1024xf32, #tpu.memory_space<vmem>>, vector<16xf32>,
      %add3A_315 = arith.addf %add3A_308, %get3A_314 : vector<16xf32>
      %mul3A_316 = arith.constant 16 : i32
      %mul3A_317 = arith.muli %scan3A_224, %mul3A_316 : i32
      %get3A_318 = arith.constant 13 : i32
      %get3A_319 = arith.index_cast %get3A_318 : i32 to index
      %get3A_320 = arith.index_cast %mul3A_317 : i32 to index
      %get3A_321 = tpu.vector_load %arg8[%get3A_319, %get3A_320] {strides = array<i32>} : memref<16x1024xf32, #tpu.memory_space<vmem>>, vector<16xf32>,
      %add3A_322 = arith.addf %add3A_315, %get3A_321 : vector<16xf32>
      %mul3A_323 = arith.constant 16 : i32
      %mul3A_324 = arith.muli %scan3A_224, %mul3A_323 : i32
      %get3A_325 = arith.constant 14 : i32
      %get3A_326 = arith.index_cast %get3A_325 : i32 to index
      %get3A_327 = arith.index_cast %mul3A_324 : i32 to index
      %get3A_328 = tpu.vector_load %arg8[%get3A_326, %get3A_327] {strides = array<i32>} : memref<16x1024xf32, #tpu.memory_space<vmem>>, vector<16xf32>,
      %add3A_329 = arith.addf %add3A_322, %get3A_328 : vector<16xf32>
      %mul3A_330 = arith.constant 16 : i32
      %mul3A_331 = arith.muli %scan3A_224, %mul3A_330 : i32
      %get3A_332 = arith.constant 15 : i32
      %get3A_333 = arith.index_cast %get3A_332 : i32 to index
      %get3A_334 = arith.index_cast %mul3A_331 : i32 to index
      %get3A_335 = tpu.vector_load %arg8[%get3A_333, %get3A_334] {strides = array<i32>} : memref<16x1024xf32, #tpu.memory_space<vmem>>, vector<16xf32>,
      %add3A_336 = arith.addf %add3A_329, %get3A_335 : vector<16xf32>
      %mul3A_337 = arith.constant 16 : i32
      %mul3A_338 = arith.muli %scan3A_224, %mul3A_337 : i32
      %swap3A = arith.index_cast %mul3A_338 : i32 to index
      %swap3A_339 = tpu.vector_load %arg9[%swap3A] {strides = array<i32>} : memref<1024xf32, #tpu.memory_space<vmem>>, vector<16xf32>,
      tpu.vector_store %arg9[%swap3A], %add3A_336 {strides = array<i32>} : memref<1024xf32, #tpu.memory_space<vmem>>, vector<16xf32>,
      %scan3A_340 = arith.constant 0 : i32
      scf.yield %scan3A_340 : i32
    }
    %scan3A_184 = arith.constant 64 : i32
    "tpu.region"() ({
      %run_scoped3A = tpu.sem_alloc : memref<!tpu.dma_semaphore, #tpu.memory_space<semaphore_mem>>
      %dma_start3A_224 = arith.constant 0 : i32
      %dma_start3A_225 = tpu.memref_slice %arg5[%add3A, %dma_start3A_224] : memref<32x1024xf32, #tpu.memory_space<hbm>> -> memref<1x1024xf32, #tpu.memory_space<hbm>>
      %dma_start3A_226 = tpu.memref_squeeze %dma_start3A_225 : memref<1x1024xf32, #tpu.memory_space<hbm>> -> memref<1024xf32, #tpu.memory_space<hbm>>
      %dma_start3A_227 = arith.constant 0 : i32
      %dma_start3A_228 = tpu.memref_slice %arg5[%add3A, %dma_start3A_227] : memref<32x1024xf32, #tpu.memory_space<hbm>> -> memref<1x1024xf32, #tpu.memory_space<hbm>>
      %dma_start3A_229 = tpu.memref_squeeze %dma_start3A_228 : memref<1x1024xf32, #tpu.memory_space<hbm>> -> memref<1024xf32, #tpu.memory_space<hbm>>
      tpu.enqueue_dma source(%arg9 : memref<1024xf32, #tpu.memory_space<vmem>>) target(%dma_start3A_229 : memref<1024xf32, #tpu.memory_space<hbm>>) target_semaphore(%run_scoped3A : memref<!tpu.dma_semaphore, #tpu.memory_space<semaphore_mem>>)
      %dma_wait3A_230 = arith.constant 0 : i32
      %dma_wait3A_231 = tpu.memref_slice %arg5[%add3A, %dma_wait3A_230] : memref<32x1024xf32, #tpu.memory_space<hbm>> -> memref<1x1024xf32, #tpu.memory_space<hbm>>
      %dma_wait3A_232 = tpu.memref_squeeze %dma_wait3A_231 : memref<1x1024xf32, #tpu.memory_space<hbm>> -> memref<1024xf32, #tpu.memory_space<hbm>>
      %dma_wait3A_233 = arith.constant 0 : i32
      %dma_wait3A_234 = tpu.memref_slice %arg5[%add3A, %dma_wait3A_233] : memref<32x1024xf32, #tpu.memory_space<hbm>> -> memref<1x1024xf32, #tpu.memory_space<hbm>>
      %dma_wait3A_235 = tpu.memref_squeeze %dma_wait3A_234 : memref<1x1024xf32, #tpu.memory_space<hbm>> -> memref<1024xf32, #tpu.memory_space<hbm>>
      tpu.wait_dma2 semaphore(%run_scoped3A : memref<!tpu.dma_semaphore, #tpu.memory_space<semaphore_mem>>) src(%arg9 : memref<1024xf32, #tpu.memory_space<vmem>>) dst(%dma_wait3A_235 : memref<1024xf32, #tpu.memory_space<hbm>>)
      tpu.yield
    }) : () -> ()
    %dma_wait3A = arith.constant 0 : i32
    %dma_wait3A_185 = arith.constant 0 : i32
    %dma_wait3A_186 = arith.constant 0 : i32
    %dma_wait3A_187 = tpu.memref_slice %arg7[%dma_wait3A_185, %dma_wait3A_186] : memref<512x64xf32, #tpu.memory_space<vmem>> -> memref<128x64xf32, #tpu.memory_space<vmem>>
    %dma_wait3A_188 = arith.constant 0 : i32
    %dma_wait3A_189 = tpu.memref_slice %arg6[%dma_wait3A, %dma_wait3A_188] : memref<4x128xi32, #tpu.memory_space<vmem>> -> memref<1x128xi32, #tpu.memory_space<vmem>>
    %dma_wait3A_190 = tpu.memref_squeeze %dma_wait3A_189 : memref<1x128xi32, #tpu.memory_space<vmem>> -> memref<128xi32, #tpu.memory_space<vmem>>
    %dma_wait3A_191 = arith.constant 0 : i32
    %dma_wait3A_192 = arith.constant 0 : i32
    %dma_wait3A_193 = tpu.memref_slice %arg2[%dma_wait3A_191, %dma_wait3A_192] : memref<1024x64xf32, #tpu.memory_space<hbm>> -> memref<1024x64xf32, #tpu.memory_space<hbm>>
    tpu.wait_indirect_dma semaphore(%arg10 : memref<!tpu.dma_semaphore, #tpu.memory_space<semaphore_mem>>) src(%dma_wait3A_193 : memref<1024x64xf32, #tpu.memory_space<hbm>>) dst(%dma_wait3A_187 : memref<128x64xf32, #tpu.memory_space<vmem>>)
    %dma_wait3A_194 = arith.constant 1 : i32
    %dma_wait3A_195 = arith.constant 128 : i32
    %dma_wait3A_196 = arith.constant 0 : i32
    %dma_wait3A_197 = tpu.memref_slice %arg7[%dma_wait3A_195, %dma_wait3A_196] : memref<512x64xf32, #tpu.memory_space<vmem>> -> memref<128x64xf32, #tpu.memory_space<vmem>>
    %dma_wait3A_198 = arith.constant 0 : i32
    %dma_wait3A_199 = tpu.memref_slice %arg6[%dma_wait3A_194, %dma_wait3A_198] : memref<4x128xi32, #tpu.memory_space<vmem>> -> memref<1x128xi32, #tpu.memory_space<vmem>>
    %dma_wait3A_200 = tpu.memref_squeeze %dma_wait3A_199 : memref<1x128xi32, #tpu.memory_space<vmem>> -> memref<128xi32, #tpu.memory_space<vmem>>
    %dma_wait3A_201 = arith.constant 0 : i32
    %dma_wait3A_202 = arith.constant 0 : i32
    %dma_wait3A_203 = tpu.memref_slice %arg2[%dma_wait3A_201, %dma_wait3A_202] : memref<1024x64xf32, #tpu.memory_space<hbm>> -> memref<1024x64xf32, #tpu.memory_space<hbm>>
    tpu.wait_indirect_dma semaphore(%arg10 : memref<!tpu.dma_semaphore, #tpu.memory_space<semaphore_mem>>) src(%dma_wait3A_203 : memref<1024x64xf32, #tpu.memory_space<hbm>>) dst(%dma_wait3A_197 : memref<128x64xf32, #tpu.memory_space<vmem>>)
    %dma_wait3A_204 = arith.constant 2 : i32
    %dma_wait3A_205 = arith.constant 256 : i32
    %dma_wait3A_206 = arith.constant 0 : i32
    %dma_wait3A_207 = tpu.memref_slice %arg7[%dma_wait3A_205, %dma_wait3A_206] : memref<512x64xf32, #tpu.memory_space<vmem>> -> memref<128x64xf32, #tpu.memory_space<vmem>>
    %dma_wait3A_208 = arith.constant 0 : i32
    %dma_wait3A_209 = tpu.memref_slice %arg6[%dma_wait3A_204, %dma_wait3A_208] : memref<4x128xi32, #tpu.memory_space<vmem>> -> memref<1x128xi32, #tpu.memory_space<vmem>>
    %dma_wait3A_210 = tpu.memref_squeeze %dma_wait3A_209 : memref<1x128xi32, #tpu.memory_space<vmem>> -> memref<128xi32, #tpu.memory_space<vmem>>
    %dma_wait3A_211 = arith.constant 0 : i32
    %dma_wait3A_212 = arith.constant 0 : i32
    %dma_wait3A_213 = tpu.memref_slice %arg2[%dma_wait3A_211, %dma_wait3A_212] : memref<1024x64xf32, #tpu.memory_space<hbm>> -> memref<1024x64xf32, #tpu.memory_space<hbm>>
    tpu.wait_indirect_dma semaphore(%arg10 : memref<!tpu.dma_semaphore, #tpu.memory_space<semaphore_mem>>) src(%dma_wait3A_213 : memref<1024x64xf32, #tpu.memory_space<hbm>>) dst(%dma_wait3A_207 : memref<128x64xf32, #tpu.memory_space<vmem>>)
    %dma_wait3A_214 = arith.constant 3 : i32
    %dma_wait3A_215 = arith.constant 384 : i32
    %dma_wait3A_216 = arith.constant 0 : i32
    %dma_wait3A_217 = tpu.memref_slice %arg7[%dma_wait3A_215, %dma_wait3A_216] : memref<512x64xf32, #tpu.memory_space<vmem>> -> memref<128x64xf32, #tpu.memory_space<vmem>>
    %dma_wait3A_218 = arith.constant 0 : i32
    %dma_wait3A_219 = tpu.memref_slice %arg6[%dma_wait3A_214, %dma_wait3A_218] : memref<4x128xi32, #tpu.memory_space<vmem>> -> memref<1x128xi32, #tpu.memory_space<vmem>>
    %dma_wait3A_220 = tpu.memref_squeeze %dma_wait3A_219 : memref<1x128xi32, #tpu.memory_space<vmem>> -> memref<128xi32, #tpu.memory_space<vmem>>
    %dma_wait3A_221 = arith.constant 0 : i32
    %dma_wait3A_222 = arith.constant 0 : i32
    %dma_wait3A_223 = tpu.memref_slice %arg2[%dma_wait3A_221, %dma_wait3A_222] : memref<1024x64xf32, #tpu.memory_space<hbm>> -> memref<1024x64xf32, #tpu.memory_space<hbm>>
    tpu.wait_indirect_dma semaphore(%arg10 : memref<!tpu.dma_semaphore, #tpu.memory_space<semaphore_mem>>) src(%dma_wait3A_223 : memref<1024x64xf32, #tpu.memory_space<hbm>>) dst(%dma_wait3A_217 : memref<128x64xf32, #tpu.memory_space<vmem>>)
    "tpu.region"() ({
      %run_scoped3A = tpu.sem_alloc : memref<!tpu.dma_semaphore, #tpu.memory_space<semaphore_mem>>
      %dma_start3A_224 = arith.constant 0 : i32
      %dma_start3A_225 = tpu.memref_slice %arg4[%mul3A_2, %dma_start3A_224] : memref<16384x64xf32, #tpu.memory_space<hbm>> -> memref<512x64xf32, #tpu.memory_space<hbm>>
      %dma_start3A_226 = arith.constant 0 : i32
      %dma_start3A_227 = tpu.memref_slice %arg4[%mul3A_2, %dma_start3A_226] : memref<16384x64xf32, #tpu.memory_space<hbm>> -> memref<512x64xf32, #tpu.memory_space<hbm>>
      tpu.enqueue_dma source(%arg7 : memref<512x64xf32, #tpu.memory_space<vmem>>) target(%dma_start3A_227 : memref<512x64xf32, #tpu.memory_space<hbm>>) target_semaphore(%run_scoped3A : memref<!tpu.dma_semaphore, #tpu.memory_space<semaphore_mem>>)
      %dma_wait3A_228 = arith.constant 0 : i32
      %dma_wait3A_229 = tpu.memref_slice %arg4[%mul3A_2, %dma_wait3A_228] : memref<16384x64xf32, #tpu.memory_space<hbm>> -> memref<512x64xf32, #tpu.memory_space<hbm>>
      %dma_wait3A_230 = arith.constant 0 : i32
      %dma_wait3A_231 = tpu.memref_slice %arg4[%mul3A_2, %dma_wait3A_230] : memref<16384x64xf32, #tpu.memory_space<hbm>> -> memref<512x64xf32, #tpu.memory_space<hbm>>
      tpu.wait_dma2 semaphore(%run_scoped3A : memref<!tpu.dma_semaphore, #tpu.memory_space<semaphore_mem>>) src(%arg7 : memref<512x64xf32, #tpu.memory_space<vmem>>) dst(%dma_wait3A_231 : memref<512x64xf32, #tpu.memory_space<hbm>>)
      tpu.yield
    }) : () -> ()
    return
  }
}

module attributes {stable_mosaic.version = 14 : i64} {
  func.func @_dist_argmin_body(%arg0: i32, %arg1: memref<1024x64xf32, #tpu.memory_space<vmem>>, %arg2: memref<1024x64xf32, #tpu.memory_space<vmem>>, %arg3: memref<1024x1xf32, #tpu.memory_space<vmem>>, %arg4: memref<1x1024xf32, #tpu.memory_space<vmem>>, %arg5: memref<1x1x1024xi32, #tpu.memory_space<vmem>>, %arg6: memref<1x1xf32, #tpu.memory_space<smem>>) attributes {dimension_semantics = [#tpu.dimension_semantics<arbitrary>], iteration_bounds = array<i64: 16>, scalar_prefetch = 0 : i64, scratch_operands = 0 : i64, tpu.core_type = #tpu.core_type<tc>, window_params = [{transform_indices = @transform_0, window_bounds = array<i64: 1024, 64>}, {pipeline_mode = #tpu.pipeline_mode<synchronous>, transform_indices = @transform_1, window_bounds = array<i64: 1024, 64>}, {transform_indices = @transform_2, window_bounds = array<i64: 1024, 1>}, {pipeline_mode = #tpu.pipeline_mode<synchronous>, transform_indices = @transform_3, window_bounds = array<i64: 1, 1024>}, {transform_indices = @transform_4, window_bounds = array<i64: 1, 1, 1024>}, {transform_indices = @transform_5, window_bounds = array<i64: 1, 1>}]} {
    %get3A = arith.constant 0 : index
    %get3A_0 = arith.constant 0 : index
    %get3A_1 = vector.load %arg1[%get3A, %get3A_0] : memref<1024x64xf32, #tpu.memory_space<vmem>>, vector<1024x64xf32>
    %get3A_2 = arith.constant 0 : index
    %get3A_3 = arith.constant 0 : index
    %get3A_4 = vector.load %arg3[%get3A_2, %get3A_3] : memref<1024x1xf32, #tpu.memory_space<vmem>>, vector<1024x1xf32>
    %broadcast_in_dim3A = arith.constant 0x7F800000 : f32
    %broadcast_in_dim3A_5 = vector.broadcast %broadcast_in_dim3A : f32 to vector<1024x128xf32>
    %broadcast_in_dim3A_6 = arith.constant 0 : i32
    %broadcast_in_dim3A_7 = vector.broadcast %broadcast_in_dim3A_6 : i32 to vector<1024x128xi32>
    %get3A_8 = arith.constant 0 : index
    %get3A_9 = arith.constant 0 : index
    %get3A_10 = vector.load %arg2[%get3A_8, %get3A_9] : memref<1024x64xf32, #tpu.memory_space<vmem>>, vector<128x64xf32>
    %dot_general3A = arith.constant dense<0.000000e+00> : vector<1024x128xf32>
    %dot_general3A_11 = tpu.matmul %get3A_1, %get3A_10, %dot_general3A {dimension_numbers = #tpu.dot_dimension_numbers<[1], [1], [0], [0], [0, 0, 1, 0], [], []>, transpose_lhs_hint = false} : vector<1024x64xf32>, vector<128x64xf32>, vector<1024x128xf32> -> vector<1024x128xf32>
    %get3A_12 = arith.constant 0 : index
    %get3A_13 = arith.constant 0 : index
    %get3A_14 = vector.load %arg4[%get3A_12, %get3A_13] : memref<1x1024xf32, #tpu.memory_space<vmem>>, vector<1x128xf32>
    %add3A = vector.broadcast %get3A_4 : vector<1024x1xf32> to vector<1024x128xf32>
    %add3A_15 = vector.broadcast %get3A_14 : vector<1x128xf32> to vector<1024x128xf32>
    %add3A_16 = arith.addf %add3A, %add3A_15 : vector<1024x128xf32>
    %mul3A = arith.constant 2.000000e+00 : f32
    %mul3A_17 = vector.broadcast %mul3A : f32 to vector<1024x128xf32>
    %mul3A_18 = arith.mulf %mul3A_17, %dot_general3A_11 : vector<1024x128xf32>
    %sub3A = arith.subf %add3A_16, %mul3A_18 : vector<1024x128xf32>
    %lt3A = arith.cmpf olt, %sub3A, %broadcast_in_dim3A_5 : vector<1024x128xf32>
    %select_n3A = arith.select %lt3A, %sub3A, %broadcast_in_dim3A_5 : vector<1024x128xi1>, vector<1024x128xf32>
    %jit3A = arith.constant 0 : i32
    %broadcast_in_dim3A_19 = vector.broadcast %jit3A : i32 to vector<1024x128xi32>
    %select_n3A_20 = arith.select %lt3A, %broadcast_in_dim3A_19, %broadcast_in_dim3A_7 : vector<1024x128xi1>, vector<1024x128xi32>
    %get3A_21 = arith.constant 128 : index
    %get3A_22 = arith.constant 0 : index
    %get3A_23 = vector.load %arg2[%get3A_21, %get3A_22] : memref<1024x64xf32, #tpu.memory_space<vmem>>, vector<128x64xf32>
    %dot_general3A_24 = arith.constant dense<0.000000e+00> : vector<1024x128xf32>
    %dot_general3A_25 = tpu.matmul %get3A_1, %get3A_23, %dot_general3A_24 {dimension_numbers = #tpu.dot_dimension_numbers<[1], [1], [0], [0], [0, 0, 1, 0], [], []>, transpose_lhs_hint = false} : vector<1024x64xf32>, vector<128x64xf32>, vector<1024x128xf32> -> vector<1024x128xf32>
    %get3A_26 = arith.constant 0 : index
    %get3A_27 = arith.constant 128 : index
    %get3A_28 = vector.load %arg4[%get3A_26, %get3A_27] : memref<1x1024xf32, #tpu.memory_space<vmem>>, vector<1x128xf32>
    %add3A_29 = vector.broadcast %get3A_4 : vector<1024x1xf32> to vector<1024x128xf32>
    %add3A_30 = vector.broadcast %get3A_28 : vector<1x128xf32> to vector<1024x128xf32>
    %add3A_31 = arith.addf %add3A_29, %add3A_30 : vector<1024x128xf32>
    %mul3A_32 = arith.constant 2.000000e+00 : f32
    %mul3A_33 = vector.broadcast %mul3A_32 : f32 to vector<1024x128xf32>
    %mul3A_34 = arith.mulf %mul3A_33, %dot_general3A_25 : vector<1024x128xf32>
    %sub3A_35 = arith.subf %add3A_31, %mul3A_34 : vector<1024x128xf32>
    %lt3A_36 = arith.cmpf olt, %sub3A_35, %select_n3A : vector<1024x128xf32>
    %select_n3A_37 = arith.select %lt3A_36, %sub3A_35, %select_n3A : vector<1024x128xi1>, vector<1024x128xf32>
    %jit3A_38 = arith.constant 1 : i32
    %broadcast_in_dim3A_39 = vector.broadcast %jit3A_38 : i32 to vector<1024x128xi32>
    %select_n3A_40 = arith.select %lt3A_36, %broadcast_in_dim3A_39, %select_n3A_20 : vector<1024x128xi1>, vector<1024x128xi32>
    %get3A_41 = arith.constant 256 : index
    %get3A_42 = arith.constant 0 : index
    %get3A_43 = vector.load %arg2[%get3A_41, %get3A_42] : memref<1024x64xf32, #tpu.memory_space<vmem>>, vector<128x64xf32>
    %dot_general3A_44 = arith.constant dense<0.000000e+00> : vector<1024x128xf32>
    %dot_general3A_45 = tpu.matmul %get3A_1, %get3A_43, %dot_general3A_44 {dimension_numbers = #tpu.dot_dimension_numbers<[1], [1], [0], [0], [0, 0, 1, 0], [], []>, transpose_lhs_hint = false} : vector<1024x64xf32>, vector<128x64xf32>, vector<1024x128xf32> -> vector<1024x128xf32>
    %get3A_46 = arith.constant 0 : index
    %get3A_47 = arith.constant 256 : index
    %get3A_48 = vector.load %arg4[%get3A_46, %get3A_47] : memref<1x1024xf32, #tpu.memory_space<vmem>>, vector<1x128xf32>
    %add3A_49 = vector.broadcast %get3A_4 : vector<1024x1xf32> to vector<1024x128xf32>
    %add3A_50 = vector.broadcast %get3A_48 : vector<1x128xf32> to vector<1024x128xf32>
    %add3A_51 = arith.addf %add3A_49, %add3A_50 : vector<1024x128xf32>
    %mul3A_52 = arith.constant 2.000000e+00 : f32
    %mul3A_53 = vector.broadcast %mul3A_52 : f32 to vector<1024x128xf32>
    %mul3A_54 = arith.mulf %mul3A_53, %dot_general3A_45 : vector<1024x128xf32>
    %sub3A_55 = arith.subf %add3A_51, %mul3A_54 : vector<1024x128xf32>
    %lt3A_56 = arith.cmpf olt, %sub3A_55, %select_n3A_37 : vector<1024x128xf32>
    %select_n3A_57 = arith.select %lt3A_56, %sub3A_55, %select_n3A_37 : vector<1024x128xi1>, vector<1024x128xf32>
    %jit3A_58 = arith.constant 2 : i32
    %broadcast_in_dim3A_59 = vector.broadcast %jit3A_58 : i32 to vector<1024x128xi32>
    %select_n3A_60 = arith.select %lt3A_56, %broadcast_in_dim3A_59, %select_n3A_40 : vector<1024x128xi1>, vector<1024x128xi32>
    %get3A_61 = arith.constant 384 : index
    %get3A_62 = arith.constant 0 : index
    %get3A_63 = vector.load %arg2[%get3A_61, %get3A_62] : memref<1024x64xf32, #tpu.memory_space<vmem>>, vector<128x64xf32>
    %dot_general3A_64 = arith.constant dense<0.000000e+00> : vector<1024x128xf32>
    %dot_general3A_65 = tpu.matmul %get3A_1, %get3A_63, %dot_general3A_64 {dimension_numbers = #tpu.dot_dimension_numbers<[1], [1], [0], [0], [0, 0, 1, 0], [], []>, transpose_lhs_hint = false} : vector<1024x64xf32>, vector<128x64xf32>, vector<1024x128xf32> -> vector<1024x128xf32>
    %get3A_66 = arith.constant 0 : index
    %get3A_67 = arith.constant 384 : index
    %get3A_68 = vector.load %arg4[%get3A_66, %get3A_67] : memref<1x1024xf32, #tpu.memory_space<vmem>>, vector<1x128xf32>
    %add3A_69 = vector.broadcast %get3A_4 : vector<1024x1xf32> to vector<1024x128xf32>
    %add3A_70 = vector.broadcast %get3A_68 : vector<1x128xf32> to vector<1024x128xf32>
    %add3A_71 = arith.addf %add3A_69, %add3A_70 : vector<1024x128xf32>
    %mul3A_72 = arith.constant 2.000000e+00 : f32
    %mul3A_73 = vector.broadcast %mul3A_72 : f32 to vector<1024x128xf32>
    %mul3A_74 = arith.mulf %mul3A_73, %dot_general3A_65 : vector<1024x128xf32>
    %sub3A_75 = arith.subf %add3A_71, %mul3A_74 : vector<1024x128xf32>
    %lt3A_76 = arith.cmpf olt, %sub3A_75, %select_n3A_57 : vector<1024x128xf32>
    %select_n3A_77 = arith.select %lt3A_76, %sub3A_75, %select_n3A_57 : vector<1024x128xi1>, vector<1024x128xf32>
    %jit3A_78 = arith.constant 3 : i32
    %broadcast_in_dim3A_79 = vector.broadcast %jit3A_78 : i32 to vector<1024x128xi32>
    %select_n3A_80 = arith.select %lt3A_76, %broadcast_in_dim3A_79, %select_n3A_60 : vector<1024x128xi1>, vector<1024x128xi32>
    %get3A_81 = arith.constant 512 : index
    %get3A_82 = arith.constant 0 : index
    %get3A_83 = vector.load %arg2[%get3A_81, %get3A_82] : memref<1024x64xf32, #tpu.memory_space<vmem>>, vector<128x64xf32>
    %dot_general3A_84 = arith.constant dense<0.000000e+00> : vector<1024x128xf32>
    %dot_general3A_85 = tpu.matmul %get3A_1, %get3A_83, %dot_general3A_84 {dimension_numbers = #tpu.dot_dimension_numbers<[1], [1], [0], [0], [0, 0, 1, 0], [], []>, transpose_lhs_hint = false} : vector<1024x64xf32>, vector<128x64xf32>, vector<1024x128xf32> -> vector<1024x128xf32>
    %get3A_86 = arith.constant 0 : index
    %get3A_87 = arith.constant 512 : index
    %get3A_88 = vector.load %arg4[%get3A_86, %get3A_87] : memref<1x1024xf32, #tpu.memory_space<vmem>>, vector<1x128xf32>
    %add3A_89 = vector.broadcast %get3A_4 : vector<1024x1xf32> to vector<1024x128xf32>
    %add3A_90 = vector.broadcast %get3A_88 : vector<1x128xf32> to vector<1024x128xf32>
    %add3A_91 = arith.addf %add3A_89, %add3A_90 : vector<1024x128xf32>
    %mul3A_92 = arith.constant 2.000000e+00 : f32
    %mul3A_93 = vector.broadcast %mul3A_92 : f32 to vector<1024x128xf32>
    %mul3A_94 = arith.mulf %mul3A_93, %dot_general3A_85 : vector<1024x128xf32>
    %sub3A_95 = arith.subf %add3A_91, %mul3A_94 : vector<1024x128xf32>
    %lt3A_96 = arith.cmpf olt, %sub3A_95, %select_n3A_77 : vector<1024x128xf32>
    %select_n3A_97 = arith.select %lt3A_96, %sub3A_95, %select_n3A_77 : vector<1024x128xi1>, vector<1024x128xf32>
    %jit3A_98 = arith.constant 4 : i32
    %broadcast_in_dim3A_99 = vector.broadcast %jit3A_98 : i32 to vector<1024x128xi32>
    %select_n3A_100 = arith.select %lt3A_96, %broadcast_in_dim3A_99, %select_n3A_80 : vector<1024x128xi1>, vector<1024x128xi32>
    %get3A_101 = arith.constant 640 : index
    %get3A_102 = arith.constant 0 : index
    %get3A_103 = vector.load %arg2[%get3A_101, %get3A_102] : memref<1024x64xf32, #tpu.memory_space<vmem>>, vector<128x64xf32>
    %dot_general3A_104 = arith.constant dense<0.000000e+00> : vector<1024x128xf32>
    %dot_general3A_105 = tpu.matmul %get3A_1, %get3A_103, %dot_general3A_104 {dimension_numbers = #tpu.dot_dimension_numbers<[1], [1], [0], [0], [0, 0, 1, 0], [], []>, transpose_lhs_hint = false} : vector<1024x64xf32>, vector<128x64xf32>, vector<1024x128xf32> -> vector<1024x128xf32>
    %get3A_106 = arith.constant 0 : index
    %get3A_107 = arith.constant 640 : index
    %get3A_108 = vector.load %arg4[%get3A_106, %get3A_107] : memref<1x1024xf32, #tpu.memory_space<vmem>>, vector<1x128xf32>
    %add3A_109 = vector.broadcast %get3A_4 : vector<1024x1xf32> to vector<1024x128xf32>
    %add3A_110 = vector.broadcast %get3A_108 : vector<1x128xf32> to vector<1024x128xf32>
    %add3A_111 = arith.addf %add3A_109, %add3A_110 : vector<1024x128xf32>
    %mul3A_112 = arith.constant 2.000000e+00 : f32
    %mul3A_113 = vector.broadcast %mul3A_112 : f32 to vector<1024x128xf32>
    %mul3A_114 = arith.mulf %mul3A_113, %dot_general3A_105 : vector<1024x128xf32>
    %sub3A_115 = arith.subf %add3A_111, %mul3A_114 : vector<1024x128xf32>
    %lt3A_116 = arith.cmpf olt, %sub3A_115, %select_n3A_97 : vector<1024x128xf32>
    %select_n3A_117 = arith.select %lt3A_116, %sub3A_115, %select_n3A_97 : vector<1024x128xi1>, vector<1024x128xf32>
    %jit3A_118 = arith.constant 5 : i32
    %broadcast_in_dim3A_119 = vector.broadcast %jit3A_118 : i32 to vector<1024x128xi32>
    %select_n3A_120 = arith.select %lt3A_116, %broadcast_in_dim3A_119, %select_n3A_100 : vector<1024x128xi1>, vector<1024x128xi32>
    %get3A_121 = arith.constant 768 : index
    %get3A_122 = arith.constant 0 : index
    %get3A_123 = vector.load %arg2[%get3A_121, %get3A_122] : memref<1024x64xf32, #tpu.memory_space<vmem>>, vector<128x64xf32>
    %dot_general3A_124 = arith.constant dense<0.000000e+00> : vector<1024x128xf32>
    %dot_general3A_125 = tpu.matmul %get3A_1, %get3A_123, %dot_general3A_124 {dimension_numbers = #tpu.dot_dimension_numbers<[1], [1], [0], [0], [0, 0, 1, 0], [], []>, transpose_lhs_hint = false} : vector<1024x64xf32>, vector<128x64xf32>, vector<1024x128xf32> -> vector<1024x128xf32>
    %get3A_126 = arith.constant 0 : index
    %get3A_127 = arith.constant 768 : index
    %get3A_128 = vector.load %arg4[%get3A_126, %get3A_127] : memref<1x1024xf32, #tpu.memory_space<vmem>>, vector<1x128xf32>
    %add3A_129 = vector.broadcast %get3A_4 : vector<1024x1xf32> to vector<1024x128xf32>
    %add3A_130 = vector.broadcast %get3A_128 : vector<1x128xf32> to vector<1024x128xf32>
    %add3A_131 = arith.addf %add3A_129, %add3A_130 : vector<1024x128xf32>
    %mul3A_132 = arith.constant 2.000000e+00 : f32
    %mul3A_133 = vector.broadcast %mul3A_132 : f32 to vector<1024x128xf32>
    %mul3A_134 = arith.mulf %mul3A_133, %dot_general3A_125 : vector<1024x128xf32>
    %sub3A_135 = arith.subf %add3A_131, %mul3A_134 : vector<1024x128xf32>
    %lt3A_136 = arith.cmpf olt, %sub3A_135, %select_n3A_117 : vector<1024x128xf32>
    %select_n3A_137 = arith.select %lt3A_136, %sub3A_135, %select_n3A_117 : vector<1024x128xi1>, vector<1024x128xf32>
    %jit3A_138 = arith.constant 6 : i32
    %broadcast_in_dim3A_139 = vector.broadcast %jit3A_138 : i32 to vector<1024x128xi32>
    %select_n3A_140 = arith.select %lt3A_136, %broadcast_in_dim3A_139, %select_n3A_120 : vector<1024x128xi1>, vector<1024x128xi32>
    %get3A_141 = arith.constant 896 : index
    %get3A_142 = arith.constant 0 : index
    %get3A_143 = vector.load %arg2[%get3A_141, %get3A_142] : memref<1024x64xf32, #tpu.memory_space<vmem>>, vector<128x64xf32>
    %dot_general3A_144 = arith.constant dense<0.000000e+00> : vector<1024x128xf32>
    %dot_general3A_145 = tpu.matmul %get3A_1, %get3A_143, %dot_general3A_144 {dimension_numbers = #tpu.dot_dimension_numbers<[1], [1], [0], [0], [0, 0, 1, 0], [], []>, transpose_lhs_hint = false} : vector<1024x64xf32>, vector<128x64xf32>, vector<1024x128xf32> -> vector<1024x128xf32>
    %get3A_146 = arith.constant 0 : index
    %get3A_147 = arith.constant 896 : index
    %get3A_148 = vector.load %arg4[%get3A_146, %get3A_147] : memref<1x1024xf32, #tpu.memory_space<vmem>>, vector<1x128xf32>
    %add3A_149 = vector.broadcast %get3A_4 : vector<1024x1xf32> to vector<1024x128xf32>
    %add3A_150 = vector.broadcast %get3A_148 : vector<1x128xf32> to vector<1024x128xf32>
    %add3A_151 = arith.addf %add3A_149, %add3A_150 : vector<1024x128xf32>
    %mul3A_152 = arith.constant 2.000000e+00 : f32
    %mul3A_153 = vector.broadcast %mul3A_152 : f32 to vector<1024x128xf32>
    %mul3A_154 = arith.mulf %mul3A_153, %dot_general3A_145 : vector<1024x128xf32>
    %sub3A_155 = arith.subf %add3A_151, %mul3A_154 : vector<1024x128xf32>
    %lt3A_156 = arith.cmpf olt, %sub3A_155, %select_n3A_137 : vector<1024x128xf32>
    %select_n3A_157 = arith.select %lt3A_156, %sub3A_155, %select_n3A_137 : vector<1024x128xi1>, vector<1024x128xf32>
    %jit3A_158 = arith.constant 7 : i32
    %broadcast_in_dim3A_159 = vector.broadcast %jit3A_158 : i32 to vector<1024x128xi32>
    %select_n3A_160 = arith.select %lt3A_156, %broadcast_in_dim3A_159, %select_n3A_140 : vector<1024x128xi1>, vector<1024x128xi32>
    %iota3A = tpu.iota {dimensions = array<i32: 1>} : vector<1024x128xi32>
    %mul3A_161 = arith.constant 128 : i32
    %mul3A_162 = vector.broadcast %mul3A_161 : i32 to vector<1024x128xi32>
    %mul3A_163 = arith.muli %select_n3A_160, %mul3A_162 : vector<1024x128xi32>
    %add3A_164 = arith.addi %mul3A_163, %iota3A : vector<1024x128xi32>
    %reduce_min3A = arith.constant dense<0x7F800000> : vector<1024xf32>
    %reduce_min3A_165 = vector.multi_reduction <minimumf>, %select_n3A_157, %reduce_min3A [1] : vector<1024x128xf32> to vector<1024xf32>
    %broadcast_in_dim3A_166 = vector.shape_cast %reduce_min3A_165 : vector<1024xf32> to vector<1024x1xf32>
    %eq3A = vector.broadcast %broadcast_in_dim3A_166 : vector<1024x1xf32> to vector<1024x128xf32>
    %eq3A_167 = arith.cmpf oeq, %select_n3A_157, %eq3A : vector<1024x128xf32>
    %jit3A_168 = arith.constant 1024 : i32
    %broadcast_in_dim3A_169 = vector.broadcast %jit3A_168 : i32 to vector<1024x128xi32>
    %select_n3A_170 = arith.select %eq3A_167, %add3A_164, %broadcast_in_dim3A_169 : vector<1024x128xi1>, vector<1024x128xi32>
    %reduce_min3A_171 = arith.constant dense<2147483647> : vector<1024xi32>
    %reduce_min3A_172 = vector.multi_reduction <minsi>, %select_n3A_170, %reduce_min3A_171 [1] : vector<1024x128xi32> to vector<1024xi32>
    %swap3A = arith.constant 0 : index
    %swap3A_173 = arith.constant 0 : index
    %swap3A_174 = arith.constant 0 : index
    %swap3A_175 = vector.load %arg5[%swap3A, %swap3A_173, %swap3A_174] : memref<1x1x1024xi32, #tpu.memory_space<vmem>>, vector<1x1x1024xi32>
    %swap3A_176 = vector.shape_cast %swap3A_175 : vector<1x1x1024xi32> to vector<1024xi32>
    %swap3A_177 = vector.shape_cast %reduce_min3A_172 : vector<1024xi32> to vector<1x1x1024xi32>
    tpu.vector_store %arg5[%swap3A, %swap3A_173, %swap3A_174], %swap3A_177 {strides = array<i32>} : memref<1x1x1024xi32, #tpu.memory_space<vmem>>, vector<1x1x1024xi32>,
    %reduce_sum3A = vector.shape_cast %broadcast_in_dim3A_166 : vector<1024x1xf32> to vector<1x1024x1xf32>
    %reduce_sum3A_178 = arith.constant dense<0.000000e+00> : vector<1xf32>
    %reduce_sum3A_179 = vector.multi_reduction <add>, %reduce_sum3A, %reduce_sum3A_178 [1, 2] : vector<1x1024x1xf32> to vector<1xf32>
    %reduce_sum3A_180 = vector.shape_cast %reduce_sum3A_179 : vector<1xf32> to vector<1x1x1xf32>
    %reduce_sum3A_181 = vector.extract %reduce_sum3A_180[0, 0, 0] : f32 from vector<1x1x1xf32>
    %eq3A_182 = arith.constant 0 : i32
    %eq3A_183 = arith.cmpi eq, %arg0, %eq3A_182 : i32
    %convert_element_type3A = arith.extui %eq3A_183 : i1 to i32
    %cond3A = arith.constant 0 : i32
    %cond3A_184 = arith.cmpi ne, %convert_element_type3A, %cond3A : i32
    scf.if %cond3A_184 {
      %swap3A_192 = arith.constant 0.000000e+00 : f32
      %swap3A_193 = arith.constant 0 : index
      %swap3A_194 = arith.constant 0 : index
      %swap3A_195 = memref.load %arg6[%swap3A_193, %swap3A_194] : memref<1x1xf32, #tpu.memory_space<smem>>
      memref.store %swap3A_192, %arg6[%swap3A_193, %swap3A_194] : memref<1x1xf32, #tpu.memory_space<smem>>
    } else {
    }
    %get3A_185 = arith.constant 0 : index
    %get3A_186 = arith.constant 0 : index
    %get3A_187 = memref.load %arg6[%get3A_185, %get3A_186] : memref<1x1xf32, #tpu.memory_space<smem>>
    %add3A_188 = arith.addf %get3A_187, %reduce_sum3A_181 : f32
    %swap3A_189 = arith.constant 0 : index
    %swap3A_190 = arith.constant 0 : index
    %swap3A_191 = memref.load %arg6[%swap3A_189, %swap3A_190] : memref<1x1xf32, #tpu.memory_space<smem>>
    memref.store %add3A_188, %arg6[%swap3A_189, %swap3A_190] : memref<1x1xf32, #tpu.memory_space<smem>>
    return
  }
  func.func @transform_0(%arg0: i32) -> (i32, i32) {
    %c0_i32 = arith.constant 0 : i32
    %c0_i32_0 = arith.constant 0 : i32
    return %arg0, %c0_i32 : i32, i32
  }
  func.func @transform_1(%arg0: i32) -> (i32, i32) {
    %c0_i32 = arith.constant 0 : i32
    %c0_i32_0 = arith.constant 0 : i32
    %c0_i32_1 = arith.constant 0 : i32
    return %c0_i32, %c0_i32_0 : i32, i32
  }
  func.func @transform_2(%arg0: i32) -> (i32, i32) {
    %c0_i32 = arith.constant 0 : i32
    %c0_i32_0 = arith.constant 0 : i32
    return %arg0, %c0_i32 : i32, i32
  }
  func.func @transform_3(%arg0: i32) -> (i32, i32) {
    %c0_i32 = arith.constant 0 : i32
    %c0_i32_0 = arith.constant 0 : i32
    %c0_i32_1 = arith.constant 0 : i32
    return %c0_i32, %c0_i32_0 : i32, i32
  }
  func.func @transform_4(%arg0: i32) -> (i32, i32, i32) {
    %c0_i32 = arith.constant 0 : i32
    %c0_i32_0 = arith.constant 0 : i32
    %c0_i32_1 = arith.constant 0 : i32
    return %arg0, %c0_i32, %c0_i32_0 : i32, i32, i32
  }
  func.func @transform_5(%arg0: i32) -> (i32, i32) {
    %c0_i32 = arith.constant 0 : i32
    %c0_i32_0 = arith.constant 0 : i32
    %c0_i32_1 = arith.constant 0 : i32
    return %c0_i32, %c0_i32_0 : i32, i32
  }
}

module attributes {stable_mosaic.version = 14 : i64} {
  func.func @_epilogue_body(%arg0: memref<1x1xf32, #tpu.memory_space<smem>>, %arg1: memref<32x1024xf32, #tpu.memory_space<vmem>>, %arg2: memref<1x1xf32, #tpu.memory_space<smem>>, %arg3: memref<1x1xf32, #tpu.memory_space<smem>>) attributes {dimension_semantics = [], scalar_prefetch = 0 : i64, scratch_operands = 0 : i64, tpu.core_type = #tpu.core_type<tc>} {
    %get3A = arith.constant 0 : index
    %get3A_0 = arith.constant 0 : index
    %get3A_1 = vector.load %arg1[%get3A, %get3A_0] : memref<32x1024xf32, #tpu.memory_space<vmem>>, vector<32x1024xf32>
    %reduce_sum3A = arith.constant dense<0.000000e+00> : vector<1024xf32>
    %reduce_sum3A_2 = vector.multi_reduction <add>, %get3A_1, %reduce_sum3A [0] : vector<32x1024xf32> to vector<1024xf32>
    %broadcast_in_dim3A = vector.shape_cast %reduce_sum3A_2 : vector<1024xf32> to vector<1x1024xf32>
    %mul3A = arith.constant 6.10351563E-5 : f32
    %mul3A_3 = vector.broadcast %mul3A : f32 to vector<1x1024xf32>
    %mul3A_4 = arith.mulf %broadcast_in_dim3A, %mul3A_3 : vector<1x1024xf32>
    %add3A = arith.constant 1.000000e-10 : f32
    %add3A_5 = vector.broadcast %add3A : f32 to vector<1x1024xf32>
    %add3A_6 = arith.addf %mul3A_4, %add3A_5 : vector<1x1024xf32>
    %log3A = math.log %add3A_6 : vector<1x1024xf32>
    %mul3A_7 = arith.mulf %mul3A_4, %log3A : vector<1x1024xf32>
    %reduce_sum3A_8 = vector.shape_cast %mul3A_7 : vector<1x1024xf32> to vector<1x1x1024xf32>
    %reduce_sum3A_9 = arith.constant dense<0.000000e+00> : vector<1xf32>
    %reduce_sum3A_10 = vector.multi_reduction <add>, %reduce_sum3A_8, %reduce_sum3A_9 [1, 2] : vector<1x1x1024xf32> to vector<1xf32>
    %reduce_sum3A_11 = vector.shape_cast %reduce_sum3A_10 : vector<1xf32> to vector<1x1x1xf32>
    %reduce_sum3A_12 = vector.extract %reduce_sum3A_11[0, 0, 0] : f32 from vector<1x1x1xf32>
    %neg3A = arith.constant 0.000000e+00 : f32
    %neg3A_13 = arith.subf %neg3A, %reduce_sum3A_12 : f32
    %exp3A = math.exp %neg3A_13 : f32
    %swap3A = arith.constant 0 : index
    %swap3A_14 = arith.constant 0 : index
    %swap3A_15 = memref.load %arg3[%swap3A, %swap3A_14] : memref<1x1xf32, #tpu.memory_space<smem>>
    memref.store %exp3A, %arg3[%swap3A, %swap3A_14] : memref<1x1xf32, #tpu.memory_space<smem>>
    %get3A_16 = arith.constant 0 : index
    %get3A_17 = arith.constant 0 : index
    %get3A_18 = memref.load %arg0[%get3A_16, %get3A_17] : memref<1x1xf32, #tpu.memory_space<smem>>
    %mul3A_19 = arith.constant 1.1920929E-6 : f32
    %mul3A_20 = arith.mulf %get3A_18, %mul3A_19 : f32
    %swap3A_21 = arith.constant 0 : index
    %swap3A_22 = arith.constant 0 : index
    %swap3A_23 = memref.load %arg2[%swap3A_21, %swap3A_22] : memref<1x1xf32, #tpu.memory_space<smem>>
    memref.store %mul3A_20, %arg2[%swap3A_21, %swap3A_22] : memref<1x1xf32, #tpu.memory_space<smem>>
    return
  }
}

</mosaic_0001>

<sc_bundles>
// kernel: kernel.5.cloned.1.call-start
scs
__scs_entry_jumppad:
0x0: {  	(pc) =	sbr.rel $0x88, $3  }
0x1: {  	(tag) =	ssettag $0x0;
	lr =	simm.s32 $0x1  }
0x2: {  	[smem:$0x3F9F] =	sst lr;
	_ =	strace $0xD0000000  }
0x3: {  	_ = 	snop  }
0x4: {  	_ = 	snop  }
0x5: {  	_ = 	snop  }
0x6: {  	_ = 	snop  }
0x7: {  	_ = 	snop  }
__scs_overlays_trampoline_lowered:
0x8: {  	[smem:$0x3FAE] =	sst s0  }
0x9: {  	[smem:$0x3FAF] =	sst s1  }
0xa: {  	[smem:$0x3FB0] =	sst s2  }
0xb: {  	[smem:$0x3FB1] =	sst s3  }
0xc: {  	[smem:$0x3FB2] =	sst s4  }
0xd: {  	[smem:$0x3FB3] =	sst s5  }
0xe: {  	[smem:$0x3FB4] =	sst s6  }
0xf: {  	[smem:$0x3FB5] =	sst s7  }
0x10: {  	[smem:$0x3FB6] =	sst s8  }
0x11: {  	[smem:$0x3FB7] =	sst s9;
	s0 =	simm.s32 @!p0 $0x0  }
0x12: {  	s1 =	sld [smem:$0x3F9D];
	s0 =	simm.s32 @p0 $0x1  }
0x13: {  	[smem:$0x3FB8] =	sst s0;
	s0 =	simm.s32 @!p1 $0x0  }
0x14: {  	s2 =	sld [smem:$0x3F9C];
	s0 =	simm.s32 @p1 $0x1  }
0x15: {  	[smem:$0x3FB9] =	sst s0;
	s0 =	simm.s32 @!p2 $0x0  }
0x16: {  	s3 =	sld [smem:$0x3FDB];
	s0 =	simm.s32 @p2 $0x1  }
0x17: {  	s4 =	simm.s32 $0x1BF5;
	[smem:$0x3FBB] =	sst s0  }
0x18: {  	s0 =	sld [smem:$0x3F9E];
	_ =	swait.ge [sflag:s4], $0x0  }
0x19: {  	s7 =	sld [smem:$0x3F9F]  }
0x1a: {  	s8 =	sadd.s32 $0xFFFFE003, lr  }
0x1b: {  	s9 =	sadd.s32 $0xFFFFFEF7, lr;
	s5 =	simm.s32 $0xFFFFFFFF;
	p2 =	slt.u32 s8, $0xFFFFF086  }
0x1c: {  	p1 =	slt.u32 s9, $0xF7A;
	s5 =	simm.s32 @!p2 $0x0  }
0x1d: {  	s5 =	simm.s32 @p1 $0x1;
	p0 =	seq.s32 s7, s2  }
0x1e: {  	s7 =	smul.u32 @!p0 $0xF7A, s2;
	p2 =	seq.s32 @!p0 s5, $0x0  }
0x1f: {  	s9 =	smul.u32 $0xF7A, s1;
	s8 =	simm.s32 @!p0 $0x1BF5;
	p2 =	por !p2, p0  }
0x20: {  	[sflag:s8] =	ssyncset.s32 @!p0 $0xFFFFF086;
	s6 =	sadd.s32 @!p0 s3, s7;
	s7 =	simm.s32 @!p0 $0x108  }
0x21: {  	s3 =	sadd.s32 s3, s9;
	s6 =	sadd.s32 @!p0 $0x88, s6;
	s7 =	simm.s32 @p2 $0x1082  }
0x22: {  	[simem:s7], [sflag:s8] =	dma.local @!p0 [hbm:s6], $0xF7A  }
0x23: {  	s9 =	sor.u32 $0xD0000000, s2;
	s6 =	simm.s32 $0x108;
	_ =	swait.ge @!p0 [sflag:s8], $0x0  }
0x24: {  	s3 =	sadd.s32 $0x88, s3;
	s6 =	simm.s32 @!p1 $0x1082;
	[sflag:s4] =	ssyncset.s32 $0xFFFFF086  }
0x25: {  	[simem:s6], [sflag:s4] =	dma.local [hbm:s3], $0xF7A  }
0x26: {  	[smem:$0x3F9F] =	sst s1;
	(tag) =	ssettag s2;
	_ =	strace s9  }
0x27: {  	s1 =	sld [smem:$0x3FAF]  }
0x28: {  	s2 =	sld [smem:$0x3FB0]  }
0x29: {  	s4 =	sld [smem:$0x3FB2]  }
0x2a: {  	p0 =	seq.s32 s5, $0x0;
	s5 =	sld [smem:$0x3FB3]  }
0x2b: {  	s6 =	sld [smem:$0x3FB4]  }
0x2c: {  	s7 =	sld [smem:$0x3FB5]  }
0x2d: {  	s3 =	simm.s32 $0x108;
	s8 =	sld [smem:$0x3FB6]  }
0x2e: {  	s3 =	simm.s32 @!p0 $0x1082;
	s9 =	sld [smem:$0x3FB7]  }
0x2f: {  	lr =	sadd.s32 s0, s3;
	s0 =	sld [smem:$0x3FAE]  }
0x30: {  	s3 =	sld [smem:$0x3FB1]  }
0x31: {  	[smem:$0x3FBA] =	sst s10  }
0x32: {  	s10 =	sld [smem:$0x3FB8];
	_ =	sdelay $0x3  }
0x33: {  	p0 =	seq.s32 s10, $0x1;
	s10 =	sld [smem:$0x3FBA];
	_ =	sdelay $0x3  }
0x34: {  	[smem:$0x3FBA] =	sst s10  }
0x35: {  	s10 =	sld [smem:$0x3FB9];
	_ =	sdelay $0x3  }
0x36: {  	p1 =	seq.s32 s10, $0x1;
	s10 =	sld [smem:$0x3FBA];
	_ =	sdelay $0x3  }
0x37: {  	[smem:$0x3FBA] =	sst s10  }
0x38: {  	s10 =	sld [smem:$0x3FBB]  }
0x39: {  	_ = 	snop;
	(pc) =	sbr.ind lr, $3  }
0x3a: {  	_ = 	snop  }
0x3b: {  	_ = 	snop  }
0x3c: {  	p2 =	seq.s32 s10, $0x1;
	s10 =	sld [smem:$0x3FBA]  }
0x3d: {  	_ =	shalt  }
0x3e: {  	_ =	shalt  }
0x3f: {  	_ =	shalt  }
0x40: {  	_ =	shalt  }
0x41: {  	_ =	shalt  }
0x42: {  	_ =	shalt  }
0x43: {  	_ =	shalt  }
0x44: {  	_ =	shalt  }
0x45: {  	_ =	shalt  }
0x46: {  	_ =	shalt  }
0x47: {  	_ =	shalt  }
0x48: {  	_ =	shalt  }
0x49: {  	_ =	shalt  }
0x4a: {  	_ =	shalt  }
0x4b: {  	_ =	shalt  }
0x4c: {  	_ =	shalt  }
0x4d: {  	_ =	shalt  }
0x4e: {  	_ =	shalt  }
0x4f: {  	_ =	shalt  }
0x50: {  	_ =	shalt  }
0x51: {  	_ =	shalt  }
0x52: {  	_ =	shalt  }
0x53: {  	_ =	shalt  }
0x54: {  	_ =	shalt  }
0x55: {  	_ =	shalt  }
0x56: {  	_ =	shalt  }
0x57: {  	_ =	shalt  }
0x58: {  	_ =	shalt  }
0x59: {  	_ =	shalt  }
0x5a: {  	_ =	shalt  }
0x5b: {  	_ =	shalt  }
0x5c: {  	_ =	shalt  }
0x5d: {  	_ =	shalt  }
0x5e: {  	_ =	shalt  }
0x5f: {  	_ =	shalt  }
0x60: {  	_ =	shalt  }
0x61: {  	_ =	shalt  }
0x62: {  	_ =	shalt  }
0x63: {  	_ =	shalt  }
0x64: {  	_ =	shalt  }
0x65: {  	_ =	shalt  }
0x66: {  	_ =	shalt  }
0x67: {  	_ =	shalt  }
0x68: {  	_ =	shalt  }
0x69: {  	_ =	shalt  }
0x6a: {  	_ =	shalt  }
0x6b: {  	_ =	shalt  }
0x6c: {  	_ =	shalt  }
0x6d: {  	_ =	shalt  }
0x6e: {  	_ =	shalt  }
0x6f: {  	_ =	shalt  }
0x70: {  	_ =	shalt  }
0x71: {  	_ =	shalt  }
0x72: {  	_ =	shalt  }
0x73: {  	_ =	shalt  }
0x74: {  	_ =	shalt  }
0x75: {  	_ =	shalt  }
0x76: {  	_ =	shalt  }
0x77: {  	_ =	shalt  }
0x78: {  	_ =	shalt  }
0x79: {  	_ =	shalt  }
0x7a: {  	_ =	shalt  }
0x7b: {  	_ =	shalt  }
0x7c: {  	_ =	shalt  }
0x7d: {  	_ =	shalt  }
0x7e: {  	_ =	shalt  }
0x7f: {  	_ =	shalt  }
0x80: {  	_ =	shalt  }
0x81: {  	_ =	shalt  }
0x82: {  	_ =	shalt  }
0x83: {  	_ =	shalt  }
0x84: {  	_ =	shalt  }
0x85: {  	_ =	shalt  }
0x86: {  	_ =	shalt  }
0x87: {  	_ =	shalt  }
.Lfunc_end0:
.L_simem_size_0:
called_computation_lowered:
.L_overlay_start_0:
0x88: {  	s2 =	sld [smem:$0x3FD9]  }
0x89: {  	s3 =	sld [smem:$0x3FFE];
	_ =	sdelay $0x1  }
0x8a: {  	s1 =	srdreg.scid  }
0x8b: {  	s0 =	sand.u32 $0x1, s1  }
0x8c: {  	s14 =	sshll.u32 s0, $0xA;
	s2 =	sadd.s32 s3, s2  }
0x8d: {  	s2 =	sadd.s32 s2, s14  }
0x8e: {  	[smem:$0x3FC6] =	sst s2  }
0x8f: {  	_ = 	snop  }
0x90: {  	s2 =	sld [smem:$0x3FD0];
	_ =	sdelay $0x2  }
0x91: {  	s15 =	simm.s32 $0xA;
	s4 =	simm.s32 $0x10  }
0x92: {  	[smem:s4], [sflag:s15] =	dma.local [hbm:s2], $0x1  }
0x93: {  	_ =	swait.eq [sflag:s15], $0x1  }
0x94: {  	[sflag:s15] =	ssyncset.done $0x0  }
0x95: {  	s16 =	sld [smem:$0x10];
	[sflag:s15] =	ssyncadd.s32 $0xFFFFFFFF  }
0x96: {  	s17 =	sld [smem:$0x12];
	(tm) =	ssettm $0x1  }
0x97: {  	s18 =	sld [smem:$0x3FFB];
	_ =	sdelay $0x3  }
0x98: {  	_ =	strace s18  }
0x99: {  	s4 =	sld [smem:$0x3FFC];
	_ =	sdelay $0x3  }
0x9a: {  	_ =	strace s4  }
0x9b: {  	s4 =	sld [smem:$0x3FFD];
	_ =	sdelay $0x3  }
0x9c: {  	_ =	strace s4  }
0x9d: {  	_ =	strace $0x8FFFFFFF  }
0x9e: {  	s19 =	sld [smem:$0x3FDB];
	_ =	sdelay $0x1  }
0x9f: {  	s5 =	simm.s32 $_scs_section_size  }
0xa0: {  	s6 =	simm.s32 $_size__tile_overlayer_lowered;
	s7 =	simm.s32 $_tile_overlayer_lowered  }
0xa1: {  	s22 =	simm.s32 $0x1BFF;
	s21 =	sshll.u32 s7, $0x1;
	s4 =	sadd.s32 s5, s19  }
0xa2: {  	s8 =	simm.s32 $0x0;
	s20 =	sshll.u32 s6, $0x1;
	s6 =	sadd.s32 s21, s4  }
0xa3: {  	[timem:s8], [sflag:s22] =	dma.local [hbm:s6], s20  }
0xa4: {  	_ =	swait.ge [sflag:s22], s20  }
0xa5: {  	s5 =	ssub.s32 $0x0, s20;
	[sflag:s22] =	ssyncset.done $0x0  }
0xa6: {  	[sflag:s22] =	ssyncadd.s32 s5;
	_ =	sdelay $0x1  }
0xa7: {  	s23 =	simm.s32 $0x1B8B  }
0xa8: {  	_ =	swait.ge [sflag:s23], $0x1  }
0xa9: {  	[sflag:s23] =	ssyncset.done $0x0  }
0xaa: {  	s25 =	simm.s32 $0x1B8E;
	s24 =	sld [smem:$0x3FFE];
	[sflag:s23] =	ssyncadd.s32 $0xFFFFFFFF  }
0xab: {  	s26 =	simm.s32 $execute0_lowered;
	[smem:$0x3FD2] =	sst s25  }
0xac: {  	s6 =	sshll.u32 s26, $0x1;
	_ =	strace $0x80000046;
	[dreg:$0x1] =	wrdreg $0xFFFFFFFF  }
0xad: {  	s28 =	simm.s32 $_size_execute0_lowered;
	s4 =	sadd.s32 s4, s6;
	[dreg:$0x0] =	wrdreg $0x0  }
0xae: {  	s6 =	sshll.u32 s28, $0x1;
	[dreg:$0x2] =	wrdreg s4  }
0xaf: {  	[dreg:$0x3] =	wrdreg s6  }
0xb0: {  	[dreg:$0x4] =	wrdreg $0xC0  }
0xb1: {  	_ =	task [dreg:s8], $0x5FFFF  }
0xb2: {  	[dreg:$0x1] =	wrdreg $0xFFFFFFFF  }
0xb3: {  	[dreg:$0x0] =	wrdreg $0x60  }
0xb4: {  	[dreg:$0x2] =	wrdreg s24  }
0xb5: {  	[dreg:$0x3] =	wrdreg s17  }
0xb6: {  	[dreg:$0x4] =	wrdreg s16  }
0xb7: {  	[dreg:$0x5] =	wrdreg $0x9  }
0xb8: {  	_ =	task.clear_ibuf [dreg:s8], $0x6FFFF;
	_ =	strace $0x90000046  }
0xb9: {  	s29 =	simm.s32 $0x9;
	_ =	strace $0x80000048  }
0xba: {  	_ =	swait.ge [sflag:s29], $0x1  }
0xbb: {  	[sflag:s29] =	ssyncadd.s32 $0xFFFFFFFF  }
0xbc: {  	_ =	strace $0x90000048  }
0xbd: {  	_ =	sfence  }
0xbe: {  	s30 =	sld [smem:$0x0];
	_ =	sdelay $0x2  }
0xbf: {  	s31 =	sshll.u32 s1, $0xD;
	s1 =	sshrl.u32 s1, $0x2  }
0xc0: {  	s3 =	sand.u32 $0x4000, s31;
	s1 =	sadd.s32 s1, s30  }
0xc1: {  	s0 =	sor.u32 s3, s0;
	s1 =	sshll.u32 s1, $0x11  }
0xc2: {  	s0 =	sor.u32 s1, s0  }
0xc3: {  	s0 =	sadd.s32 $0x8F2B, s0  }
0xc4: {  	[sflag:s0] =	ssyncadd.remote.s32 $0x1  }
0xc5: {  	_ =	sfence.sel $0xFFFF  }
0xc6: {  	[dreg:$0x0] =	wrdreg $0xFFFFFFFF;
	(pc) =	sbr.abs _section_cstart, $3  }
0xc7: {  	[dreg:$0x1] =	wrdreg $0xFFFFFFFF  }
0xc8: {  	_ =	task.clear_ibuf [dreg:s8], $0x2FFFF;
	_ =	strace $0x9FFFFFFF  }
0xc9: {  	(tm) =	ssettm $0x7FFFFFFF  }
tec
execute0_lowered:
.L_overlay_start_1:
0x0: {  	(tag) =	ssettag $0x1  }
0x1: {  	s4 =	rddreg [dreg:$0x0]  }
0x2: {  	s5 =	rddreg [dreg:$0x1]  }
0x3: {  	s6 =	rddreg [dreg:$0x2]  }
0x4: {  	s0 =	rddreg [dreg:$0x3];
	s2 =	simm.s32 $0x0;
	s3 =	srdreg.scid  }
0x5: {  	s1 =	stileid.u32;
	s11 =	simm.s32 $0x2200;
	s12 =	simm.s32 $0x100  }
0x6: {  	s13 =	simm.s32 $0x4200;
	s14 =	simm.s32 $0x180;
	s15 =	simm.s32 $0x6200  }
0x7: {  	s16 =	simm.s32 $0x8200;
	s17 =	simm.s32 $0xC200;
	s18 =	simm.s32 $0x1  }
0x8: {  	s19 =	simm.s32 $0x0;
	s7 =	sand.u32 $0x1, s3;
	s30 =	sshll.u32 s1, $0x1  }
0x9: {  	[smem:$0x7FF] =	sst s2;
	s3 =	sadd.s32 $0x600, s4;
	s8 =	sor.u32 s7, s30  }
0xa: {  	_ =	strace $0x80000047;
	s7 =	ssub.s32 $0x2, s7;
	s9 =	sshll.u32 s8, $0x7  }
0xb: {  	s31 =	sshrl.u32 s7, $0x1;
	s10 =	sshll.u32 s8, $0x6;
	s8 =	sshll.u32 s8, $0xC  }
0xc: {  	s9 =	sadd.s32 s9, s4;
	s7 =	ssub.s32 s7, s31;
	s4 =	sadd.s32 s5, s10  }
0xd: {  	v1 =	vlaneseq.u32;
	s6 =	sadd.s32 s6, s8;
	s8 =	simm.s32 $0x2;
	s10 =	simm.s32 $0x200  }
0xe: {  	v0 =	vimm.f32 $0.0e+00;
	v2 =	vimm.f32 $1.000000000e+00;
	v1 =	vmul.u32 $0x400, v1;
	s5 =	sadd.s32 $0x2800, s9;
	s7 =	smax.u32 s7, $0x1;
	s9 =	simm.s32 $0x80  }
.LBB2_1:
0xf: {  	[tilespmem:s2], [sflag:$0x2] =	stream.linear.gather [hbm4b:s4+s2], $0x200, $0x38;
	[tilespmem:$0xC600] =	vst v63  }
0x10: {  	_ =	swait.ge [sflag:s8], $0x200  }
0x11: {  	[sflag:s8] =	ssyncset.done $0x0  }
0x12: {  	[sflag:s8] =	ssyncadd.s32 $0xFFFFFE00  }
0x13: {  	[tilespmem:s10], [sflag:$0x1] =	stream.indirect.gather [hbm4b:s3+s9], $0x40, s2, s9, $0xb8;
	[tilespmem:$0xC600] =	vst v63  }
0x14: {  	_ = 	snop  }
0x15: {  	[tilespmem:s11], [sflag:$0x1] =	stream.indirect.gather [hbm4b:s3+s9], $0x40, s9, s9, $0xb8;
	[tilespmem:$0xC600] =	vst v63  }
0x16: {  	_ = 	snop  }
0x17: {  	[tilespmem:s13], [sflag:$0x1] =	stream.indirect.gather [hbm4b:s3+s9], $0x40, s12, s9, $0xb8;
	[tilespmem:$0xC600] =	vst v63  }
0x18: {  	s20 =	simm.s32 $0xFFFFFC00;
	s21 =	simm.s32 $0xFFFFF040  }
0x19: {  	[tilespmem:s15], [sflag:$0x1] =	stream.indirect.gather [hbm4b:s3+s9], $0x40, s14, s9, $0xb8;
	[tilespmem:$0xC600] =	vst v63  }
.LBB2_2:
0x1a: {  	p0 =	sne.s32 s21, $0xFFFFFFC0;
	[tilespmem:s20+$0xC200] =	vst v0  }
0x1b: {  	[tilespmem:s20+$0x8600] =	vst v0  }
0x1c: {  	[tilespmem:s20+$0x8A00] =	vst v0  }
0x1d: {  	[tilespmem:s20+$0x8E00] =	vst v0  }
0x1e: {  	[tilespmem:s20+$0x9200] =	vst v0  }
0x1f: {  	[tilespmem:s20+$0x9600] =	vst v0  }
0x20: {  	[tilespmem:s20+$0x9A00] =	vst v0  }
0x21: {  	[tilespmem:s20+$0x9E00] =	vst v0  }
0x22: {  	[tilespmem:s20+$0xA200] =	vst v0  }
0x23: {  	[tilespmem:s20+$0xA600] =	vst v0  }
0x24: {  	[tilespmem:s20+$0xAA00] =	vst v0  }
.Ltmp0:
0x25: {  	[tilespmem:s20+$0xAE00] =	vst v0;
	(pc) =	sbr.rel @p0 .LBB2_2-.Ltmp0, $4  }
0x26: {  	[tilespmem:s20+$0xB200] =	vst v0  }
0x27: {  	[tilespmem:s20+$0xB600] =	vst v0  }
0x28: {  	[tilespmem:s20+$0xBA00] =	vst v0  }
0x29: {  	[tilespmem:s20+$0xBE00] =	vst v0;
	s20 =	sshra.s32 s21, $0x2;
	s21 =	sadd.s32 $0x40, s21  }
0x2a: {  	[tilespmem:s20+$0xC200] =	vst v0  }
0x2b: {  	[tilespmem:s20+$0x8600] =	vst v0  }
0x2c: {  	[tilespmem:s20+$0x8A00] =	vst v0  }
0x2d: {  	[tilespmem:s20+$0x8E00] =	vst v0  }
0x2e: {  	[tilespmem:s20+$0x9200] =	vst v0  }
0x2f: {  	[tilespmem:s20+$0x9600] =	vst v0  }
0x30: {  	[tilespmem:s20+$0x9A00] =	vst v0  }
0x31: {  	[tilespmem:s20+$0x9E00] =	vst v0  }
0x32: {  	[tilespmem:s20+$0xA200] =	vst v0  }
0x33: {  	[tilespmem:s20+$0xA600] =	vst v0  }
0x34: {  	[tilespmem:s20+$0xAA00] =	vst v0  }
0x35: {  	[tilespmem:s20+$0xAE00] =	vst v0  }
0x36: {  	[tilespmem:s20+$0xB200] =	vst v0  }
0x37: {  	[tilespmem:s20+$0xB600] =	vst v0  }
0x38: {  	[tilespmem:s20+$0xBA00] =	vst v0  }
0x39: {  	[tilespmem:s20+$0xBE00] =	vst v0  }
0x3a: {  	v3 =	vld [tilespmem:$0x0];
	_ =	sdelay $0x4  }
0x3b: {  	v3 =	vadd.s32 v1, v3;
	_ =	sdelay $0x4  }
0x3c: {  	[tilespmem:v3+s16+$0x0] =	vst.idx.add.f32.msk $0xffff, v2  }
0x3d: {  	v3 =	vld [tilespmem:$0x10];
	_ =	sdelay $0x4  }
0x3e: {  	v3 =	vadd.s32 v1, v3;
	_ =	sdelay $0x4  }
0x3f: {  	[tilespmem:v3+s16+$0x0] =	vst.idx.add.f32.msk $0xffff, v2  }
0x40: {  	v3 =	vld [tilespmem:$0x20];
	_ =	sdelay $0x4  }
0x41: {  	v3 =	vadd.s32 v1, v3;
	_ =	sdelay $0x4  }
0x42: {  	[tilespmem:v3+s16+$0x0] =	vst.idx.add.f32.msk $0xffff, v2  }
0x43: {  	v3 =	vld [tilespmem:$0x30];
	_ =	sdelay $0x4  }
0x44: {  	v3 =	vadd.s32 v1, v3;
	_ =	sdelay $0x4  }
0x45: {  	[tilespmem:v3+s16+$0x0] =	vst.idx.add.f32.msk $0xffff, v2  }
0x46: {  	v3 =	vld [tilespmem:$0x40];
	_ =	sdelay $0x4  }
0x47: {  	v3 =	vadd.s32 v1, v3;
	_ =	sdelay $0x4  }
0x48: {  	[tilespmem:v3+s16+$0x0] =	vst.idx.add.f32.msk $0xffff, v2  }
0x49: {  	v3 =	vld [tilespmem:$0x50];
	_ =	sdelay $0x4  }
0x4a: {  	v3 =	vadd.s32 v1, v3;
	_ =	sdelay $0x4  }
0x4b: {  	[tilespmem:v3+s16+$0x0] =	vst.idx.add.f32.msk $0xffff, v2  }
0x4c: {  	v3 =	vld [tilespmem:$0x60];
	_ =	sdelay $0x4  }
0x4d: {  	v3 =	vadd.s32 v1, v3;
	_ =	sdelay $0x4  }
0x4e: {  	[tilespmem:v3+s16+$0x0] =	vst.idx.add.f32.msk $0xffff, v2  }
0x4f: {  	v3 =	vld [tilespmem:$0x70];
	_ =	sdelay $0x4  }
0x50: {  	v3 =	vadd.s32 v1, v3;
	_ =	sdelay $0x4  }
0x51: {  	[tilespmem:v3+s16+$0x0] =	vst.idx.add.f32.msk $0xffff, v2  }
0x52: {  	v3 =	vld [tilespmem:$0x80];
	_ =	sdelay $0x4  }
0x53: {  	v3 =	vadd.s32 v1, v3;
	_ =	sdelay $0x4  }
0x54: {  	[tilespmem:v3+s16+$0x0] =	vst.idx.add.f32.msk $0xffff, v2  }
0x55: {  	v3 =	vld [tilespmem:$0x90];
	_ =	sdelay $0x4  }
0x56: {  	v3 =	vadd.s32 v1, v3;
	_ =	sdelay $0x4  }
0x57: {  	[tilespmem:v3+s16+$0x0] =	vst.idx.add.f32.msk $0xffff, v2  }
0x58: {  	v3 =	vld [tilespmem:$0xA0];
	_ =	sdelay $0x4  }
0x59: {  	v3 =	vadd.s32 v1, v3;
	_ =	sdelay $0x4  }
0x5a: {  	[tilespmem:v3+s16+$0x0] =	vst.idx.add.f32.msk $0xffff, v2  }
0x5b: {  	v3 =	vld [tilespmem:$0xB0];
	_ =	sdelay $0x4  }
0x5c: {  	v3 =	vadd.s32 v1, v3;
	_ =	sdelay $0x4  }
0x5d: {  	[tilespmem:v3+s16+$0x0] =	vst.idx.add.f32.msk $0xffff, v2  }
0x5e: {  	v3 =	vld [tilespmem:$0xC0];
	_ =	sdelay $0x4  }
0x5f: {  	v3 =	vadd.s32 v1, v3;
	_ =	sdelay $0x4  }
0x60: {  	[tilespmem:v3+s16+$0x0] =	vst.idx.add.f32.msk $0xffff, v2  }
0x61: {  	v3 =	vld [tilespmem:$0xD0];
	_ =	sdelay $0x4  }
0x62: {  	v3 =	vadd.s32 v1, v3;
	_ =	sdelay $0x4  }
0x63: {  	[tilespmem:v3+s16+$0x0] =	vst.idx.add.f32.msk $0xffff, v2  }
0x64: {  	v3 =	vld [tilespmem:$0xE0];
	_ =	sdelay $0x4  }
0x65: {  	v3 =	vadd.s32 v1, v3;
	_ =	sdelay $0x4  }
0x66: {  	[tilespmem:v3+s16+$0x0] =	vst.idx.add.f32.msk $0xffff, v2  }
0x67: {  	v3 =	vld [tilespmem:$0xF0];
	_ =	sdelay $0x4  }
0x68: {  	v3 =	vadd.s32 v1, v3;
	_ =	sdelay $0x4  }
0x69: {  	[tilespmem:v3+s16+$0x0] =	vst.idx.add.f32.msk $0xffff, v2  }
0x6a: {  	v3 =	vld [tilespmem:$0x100];
	_ =	sdelay $0x4  }
0x6b: {  	v3 =	vadd.s32 v1, v3;
	_ =	sdelay $0x4  }
0x6c: {  	[tilespmem:v3+s16+$0x0] =	vst.idx.add.f32.msk $0xffff, v2  }
0x6d: {  	v3 =	vld [tilespmem:$0x110];
	_ =	sdelay $0x4  }
0x6e: {  	v3 =	vadd.s32 v1, v3;
	_ =	sdelay $0x4  }
0x6f: {  	[tilespmem:v3+s16+$0x0] =	vst.idx.add.f32.msk $0xffff, v2  }
0x70: {  	v3 =	vld [tilespmem:$0x120];
	_ =	sdelay $0x4  }
0x71: {  	v3 =	vadd.s32 v1, v3;
	_ =	sdelay $0x4  }
0x72: {  	[tilespmem:v3+s16+$0x0] =	vst.idx.add.f32.msk $0xffff, v2  }
0x73: {  	v3 =	vld [tilespmem:$0x130];
	_ =	sdelay $0x4  }
0x74: {  	v3 =	vadd.s32 v1, v3;
	_ =	sdelay $0x4  }
0x75: {  	[tilespmem:v3+s16+$0x0] =	vst.idx.add.f32.msk $0xffff, v2  }
0x76: {  	v3 =	vld [tilespmem:$0x140];
	_ =	sdelay $0x4  }
0x77: {  	v3 =	vadd.s32 v1, v3;
	_ =	sdelay $0x4  }
0x78: {  	[tilespmem:v3+s16+$0x0] =	vst.idx.add.f32.msk $0xffff, v2  }
0x79: {  	v3 =	vld [tilespmem:$0x150];
	_ =	sdelay $0x4  }
0x7a: {  	v3 =	vadd.s32 v1, v3;
	_ =	sdelay $0x4  }
0x7b: {  	[tilespmem:v3+s16+$0x0] =	vst.idx.add.f32.msk $0xffff, v2  }
0x7c: {  	v3 =	vld [tilespmem:$0x160];
	_ =	sdelay $0x4  }
0x7d: {  	v3 =	vadd.s32 v1, v3;
	_ =	sdelay $0x4  }
0x7e: {  	[tilespmem:v3+s16+$0x0] =	vst.idx.add.f32.msk $0xffff, v2  }
0x7f: {  	v3 =	vld [tilespmem:$0x170];
	_ =	sdelay $0x4  }
0x80: {  	v3 =	vadd.s32 v1, v3;
	_ =	sdelay $0x4  }
0x81: {  	[tilespmem:v3+s16+$0x0] =	vst.idx.add.f32.msk $0xffff, v2  }
0x82: {  	v3 =	vld [tilespmem:$0x180];
	_ =	sdelay $0x4  }
0x83: {  	v3 =	vadd.s32 v1, v3;
	_ =	sdelay $0x4  }
0x84: {  	[tilespmem:v3+s16+$0x0] =	vst.idx.add.f32.msk $0xffff, v2  }
0x85: {  	v3 =	vld [tilespmem:$0x190];
	_ =	sdelay $0x4  }
0x86: {  	v3 =	vadd.s32 v1, v3;
	_ =	sdelay $0x4  }
0x87: {  	[tilespmem:v3+s16+$0x0] =	vst.idx.add.f32.msk $0xffff, v2  }
0x88: {  	v3 =	vld [tilespmem:$0x1A0];
	_ =	sdelay $0x4  }
0x89: {  	v3 =	vadd.s32 v1, v3;
	_ =	sdelay $0x4  }
0x8a: {  	[tilespmem:v3+s16+$0x0] =	vst.idx.add.f32.msk $0xffff, v2  }
0x8b: {  	v3 =	vld [tilespmem:$0x1B0];
	_ =	sdelay $0x4  }
0x8c: {  	v3 =	vadd.s32 v1, v3;
	_ =	sdelay $0x4  }
0x8d: {  	[tilespmem:v3+s16+$0x0] =	vst.idx.add.f32.msk $0xffff, v2  }
0x8e: {  	v3 =	vld [tilespmem:$0x1C0];
	_ =	sdelay $0x4  }
0x8f: {  	v3 =	vadd.s32 v1, v3;
	_ =	sdelay $0x4  }
0x90: {  	[tilespmem:v3+s16+$0x0] =	vst.idx.add.f32.msk $0xffff, v2  }
0x91: {  	v3 =	vld [tilespmem:$0x1D0];
	_ =	sdelay $0x4  }
0x92: {  	v3 =	vadd.s32 v1, v3;
	_ =	sdelay $0x4  }
0x93: {  	[tilespmem:v3+s16+$0x0] =	vst.idx.add.f32.msk $0xffff, v2  }
0x94: {  	v3 =	vld [tilespmem:$0x1E0];
	_ =	sdelay $0x4  }
0x95: {  	v3 =	vadd.s32 v1, v3;
	_ =	sdelay $0x4  }
0x96: {  	[tilespmem:v3+s16+$0x0] =	vst.idx.add.f32.msk $0xffff, v2  }
0x97: {  	v3 =	vld [tilespmem:$0x1F0];
	_ =	sdelay $0x4  }
0x98: {  	v3 =	vadd.s32 v1, v3;
	_ =	sdelay $0x4  }
0x99: {  	s21 =	simm.s32 $0x0;
	[tilespmem:v3+s16+$0x0] =	vst.idx.add.f32.msk $0xffff, v2  }
0x9a: {  	v3 =	vld [tilespmem:s21+$0x8200]  }
0x9b: {  	v4 =	vld [tilespmem:s21+$0x8600];
	_ =	sdelay $0x1  }
0x9c: {  	v5 =	vld [tilespmem:s21+$0x8A00];
	_ =	sdelay $0x1  }
0x9d: {  	v6 =	vld [tilespmem:s21+$0x8E00]  }
0x9e: {  	v3 =	vadd.f32 v4, v3  }
0x9f: {  	v4 =	vld [tilespmem:s21+$0x9200]  }
0xa0: {  	v3 =	vadd.f32 v5, v3  }
0xa1: {  	v5 =	vld [tilespmem:s21+$0x9600]  }
0xa2: {  	v3 =	vadd.f32 v6, v3  }
0xa3: {  	v6 =	vld [tilespmem:s21+$0x9A00]  }
0xa4: {  	v3 =	vadd.f32 v4, v3  }
0xa5: {  	v4 =	vld [tilespmem:s21+$0x9E00]  }
0xa6: {  	s20 =	simm.s32 $0x10;
	v7 =	vld [tilespmem:s21+$0xA200];
	v3 =	vadd.f32 v5, v3  }
0xa7: {  	v8 =	vld [tilespmem:s20+$0x8200]  }
0xa8: {  	v5 =	vld [tilespmem:s21+$0xA600];
	v3 =	vadd.f32 v6, v3  }
0xa9: {  	v6 =	vld [tilespmem:s20+$0x8600]  }
0xaa: {  	v9 =	vld [tilespmem:s20+$0x8A00];
	v3 =	vadd.f32 v4, v3  }
0xab: {  	v4 =	vld [tilespmem:s21+$0xAA00]  }
0xac: {  	v10 =	vld [tilespmem:s20+$0x8E00];
	v3 =	vadd.f32 v7, v3  }
0xad: {  	v7 =	vld [tilespmem:s21+$0xAE00]  }
0xae: {  	v6 =	vadd.f32 v6, v8;
	v8 =	vld [tilespmem:s20+$0x9200];
	v3 =	vadd.f32 v5, v3  }
0xaf: {  	v5 =	vld [tilespmem:s21+$0xB200]  }
0xb0: {  	v6 =	vadd.f32 v9, v6;
	v9 =	vld [tilespmem:s20+$0x9600];
	v3 =	vadd.f32 v4, v3  }
0xb1: {  	v4 =	vld [tilespmem:s21+$0xB600]  }
0xb2: {  	v11 =	vld [tilespmem:s20+$0x9A00];
	v6 =	vadd.f32 v10, v6;
	v3 =	vadd.f32 v7, v3  }
0xb3: {  	v10 =	vld [tilespmem:s21+$0xBA00]  }
0xb4: {  	v7 =	vadd.f32 v8, v6;
	v6 =	vld [tilespmem:s20+$0x9E00];
	v8 =	vadd.f32 v5, v3  }
0xb5: {  	v5 =	vld [tilespmem:s21+$0xBE00]  }
0xb6: {  	v3 =	vld [tilespmem:s20+$0xA600];
	v9 =	vadd.f32 v9, v7;
	v12 =	vadd.f32 v4, v8  }
0xb7: {  	s22 =	simm.s32 $0x20;
	v7 =	vld [tilespmem:s20+$0xA200]  }
0xb8: {  	s23 =	simm.s32 $0xC0;
	v4 =	vld [tilespmem:s22+$0x8200];
	v8 =	vadd.f32 v11, v9;
	v9 =	vadd.f32 v10, v12  }
.LBB2_4:
0xb9: {  	p0 =	sne.s32 s23, $0xFC0;
	v10 =	vld [tilespmem:s22+$0x8600]  }
0xba: {  	v6 =	vadd.f32 v6, v8;
	v8 =	vld [tilespmem:s20+$0xAA00];
	v5 =	vadd.f32 v5, v9  }
0xbb: {  	v9 =	vld [tilespmem:s22+$0x8A00]  }
0xbc: {  	v6 =	vadd.f32 v7, v6;
	v7 =	vld [tilespmem:s20+$0xAE00];
	[tilespmem:s21+$0xC200] =	vst v5;
	s21 =	smov.u32 s20;
	s20 =	smov.u32 s22  }
0xbd: {  	v5 =	vld [tilespmem:s20+$0x8E00]  }
0xbe: {  	v4 =	vadd.f32 v10, v4;
	v3 =	vadd.f32 v3, v6;
	v6 =	vld [tilespmem:s21+$0xB200]  }
0xbf: {  	v10 =	vld [tilespmem:s20+$0x9200]  }
0xc0: {  	v4 =	vadd.f32 v9, v4;
	v3 =	vadd.f32 v8, v3;
	v8 =	vld [tilespmem:s21+$0xB600]  }
0xc1: {  	v9 =	vld [tilespmem:s20+$0x9600]  }
0xc2: {  	v4 =	vadd.f32 v5, v4;
	v3 =	vadd.f32 v7, v3;
	v11 =	vld [tilespmem:s21+$0xBA00]  }
0xc3: {  	v12 =	vld [tilespmem:s20+$0x9A00]  }
.Ltmp1:
0xc4: {  	v4 =	vadd.f32 v10, v4;
	v7 =	vadd.f32 v6, v3;
	v5 =	vld [tilespmem:s21+$0xBE00];
	(pc) =	sbr.rel @p0 .LBB2_4-.Ltmp1, $4  }
0xc5: {  	v6 =	vld [tilespmem:s20+$0x9E00]  }
0xc6: {  	v9 =	vadd.f32 v9, v4;
	v3 =	vld [tilespmem:s20+$0xA600];
	v10 =	vadd.f32 v8, v7  }
0xc7: {  	s22 =	sshra.s32 s23, $0x2;
	v7 =	vld [tilespmem:s20+$0xA200]  }
0xc8: {  	s23 =	sadd.s32 $0x40, s23;
	v4 =	vld [tilespmem:s22+$0x8200];
	v8 =	vadd.f32 v12, v9;
	v9 =	vadd.f32 v11, v10  }
0xc9: {  	v10 =	vld [tilespmem:s22+$0x8600]  }
0xca: {  	v11 =	vld [tilespmem:s20+$0xAA00];
	v5 =	vadd.f32 v5, v9  }
0xcb: {  	v47 =	vld [tilespmem:s22+$0x8A00]  }
0xcc: {  	v12 =	vld [tilespmem:s20+$0xAE00];
	v6 =	vadd.f32 v6, v8;
	[tilespmem:s21+$0xC200] =	vst v5  }
0xcd: {  	v5 =	vld [tilespmem:s22+$0x8E00]  }
0xce: {  	v6 =	vadd.f32 v7, v6;
	v4 =	vadd.f32 v10, v4  }
0xcf: {  	v48 =	vld [tilespmem:s22+$0x9200]  }
0xd0: {  	v49 =	vld [tilespmem:s20+$0xB200];
	v3 =	vadd.f32 v3, v6;
	v4 =	vadd.f32 v47, v4  }
0xd1: {  	v50 =	vld [tilespmem:s22+$0x9600]  }
0xd2: {  	v51 =	vld [tilespmem:s20+$0xB600];
	v3 =	vadd.f32 v11, v3;
	v4 =	vadd.f32 v5, v4  }
0xd3: {  	v52 =	vld [tilespmem:s22+$0x9A00]  }
0xd4: {  	v53 =	vld [tilespmem:s20+$0xBA00];
	v3 =	vadd.f32 v12, v3;
	v4 =	vadd.f32 v48, v4  }
0xd5: {  	v54 =	vld [tilespmem:s22+$0x9E00]  }
0xd6: {  	v55 =	vld [tilespmem:s20+$0xBE00];
	v3 =	vadd.f32 v49, v3;
	v4 =	vadd.f32 v50, v4  }
0xd7: {  	v56 =	vld [tilespmem:s22+$0xA200]  }
0xd8: {  	v3 =	vadd.f32 v51, v3;
	v4 =	vadd.f32 v52, v4  }
0xd9: {  	v57 =	vld [tilespmem:s22+$0xA600]  }
0xda: {  	v3 =	vadd.f32 v53, v3;
	v4 =	vadd.f32 v54, v4  }
0xdb: {  	v58 =	vld [tilespmem:s22+$0xAA00]  }
0xdc: {  	v3 =	vadd.f32 v55, v3;
	v4 =	vadd.f32 v56, v4  }
0xdd: {  	v59 =	vld [tilespmem:s22+$0xAE00]  }
0xde: {  	[tilespmem:s20+$0xC200] =	vst v3;
	v3 =	vadd.f32 v57, v4  }
0xdf: {  	v60 =	vld [tilespmem:s22+$0xB200]  }
0xe0: {  	v3 =	vadd.f32 v58, v3  }
0xe1: {  	v61 =	vld [tilespmem:s22+$0xB600]  }
0xe2: {  	v3 =	vadd.f32 v59, v3  }
0xe3: {  	v62 =	vld [tilespmem:s22+$0xBA00]  }
0xe4: {  	v3 =	vadd.f32 v60, v3  }
0xe5: {  	v63 =	vld [tilespmem:s22+$0xBE00]  }
0xe6: {  	v3 =	vadd.f32 v61, v3;
	_ =	sdelay $0x1  }
0xe7: {  	v3 =	vadd.f32 v62, v3;
	_ =	sdelay $0x1  }
0xe8: {  	v3 =	vadd.f32 v63, v3;
	_ =	sdelay $0x1  }
0xe9: {  	[tilespmem:s22+$0xC200] =	vst v3  }
0xea: {  	[hbm4b:s5+s2] =	stream.linear.scatter [tilespmem:s17], [sflag:$0x2], $0x400, $0x38;
	[tilespmem:$0xC600] =	vst v63  }
0xeb: {  	_ =	swait.ge [sflag:s8], $0x400  }
0xec: {  	[sflag:s8] =	ssyncset.done $0x0  }
0xed: {  	[sflag:s8] =	ssyncadd.s32 $0xFFFFFC00  }
0xee: {  	_ =	swait.ge [sflag:s18], $0x2000  }
0xef: {  	[sflag:s18] =	ssyncset.done $0x0  }
0xf0: {  	[sflag:s18] =	ssyncadd.s32 $0xFFFFE000  }
0xf1: {  	_ =	swait.ge [sflag:s18], $0x2000  }
0xf2: {  	[sflag:s18] =	ssyncset.done $0x0  }
0xf3: {  	[sflag:s18] =	ssyncadd.s32 $0xFFFFE000  }
0xf4: {  	_ =	swait.ge [sflag:s18], $0x2000  }
0xf5: {  	[sflag:s18] =	ssyncset.done $0x0  }
0xf6: {  	[sflag:s18] =	ssyncadd.s32 $0xFFFFE000  }
0xf7: {  	s19 =	sadd.s32 $0x1, s19;
	_ =	swait.ge [sflag:s18], $0x2000  }
0xf8: {  	p0 =	sne.s32 s19, s7;
	[sflag:s18] =	ssyncset.done $0x0  }
.Ltmp2:
0xf9: {  	[sflag:s18] =	ssyncadd.s32 $0xFFFFE000;
	(pc) =	sbr.rel @p0 .LBB2_1-.Ltmp2, $4  }
0xfa: {  	[hbm4b:s6+s2] =	stream.linear.scatter [tilespmem:s10], [sflag:$0x2], $0x8000, $0x38;
	[tilespmem:$0xC600] =	vst v63  }
0xfb: {  	_ =	swait.ge [sflag:s8], $0x8000  }
0xfc: {  	[sflag:s8] =	ssyncset.done $0x0  }
0xfd: {  	[sflag:s8] =	ssyncadd.s32 $0xFFFF8000  }
0xfe: {  	_ =	sfence.sel $0x180000  }
0xff: {  	[bflag:$0x0] =	sbarrier.arrive $0xFFFF  }
0x100: {  	p0 =	sne.s32 s1, $0x0;
	_ =	strace $0x90000047  }
0x101: {  	s0 =	sadd.s32 @!p0 $0x100000, s0;
	[bflag:$0x2] =	sbarrier.arrive $0xFFFF  }
0x102: {  	[sflag:s0] =	ssyncadd.tile.s32 @!p0 $0x1;
	_ =	shalt  }
.Lfunc_end2:
_tile_overlayer_lowered:
.L_overlay_start_2:
0x103: {  	(tag) =	ssettag $0x2  }
0x104: {  	s0 =	rddreg [dreg:$0x0];
	s2 =	stileid.u32  }
0x105: {  	s1 =	rddreg [dreg:$0x1];
	p0 =	sne.s32 s2, $0x0  }
0x106: {  	s3 =	rddreg [dreg:$0x2];
	[bflag:$0x3] =	sbarrier.arrive $0xFFFF;
	s2 =	simm.s32 @!p0 $0x1C02  }
0x107: {  	[timem:s3], [sflag:s2] =	dma.local @!p0 [hbm:s0], s1  }
0x108: {  	s0 =	simm.s32 @!p0 $0x2  }
0x109: {  	_ =	swait.ge @!p0 [sflag:s0], s1  }
0x10a: {  	s1 =	ssub.s32 @!p0 $0x0, s1;
	[sflag:s0] =	ssyncset.done @!p0 $0x0  }
0x10b: {  	[sflag:s0] =	ssyncadd.s32 @!p0 s1  }
0x10c: {  	[bflag:$0x3] =	sbarrier.arrive $0xFFFF  }
0x10d: {  	_ =	shalt  }

</sc_bundles>
